<compile_context>
chip_gen: v7x
topology: tpu7x:2x2x1
jax: 0.10.2.dev20260603
libtpu: 0.0.44.dev20260713+nightly
codegen_flags: <defaults>
</compile_context>

<pallas_src>
import jax
import jax.numpy as jnp
from jax import lax
from jax.experimental import pallas as pl
from jax.experimental.pallas import tpu as pltpu
from jax.experimental.pallas import tpu_sc as plsc

N_NODES = 10000
D = 128
B = 320000

_INFO = plsc.get_sparse_core_info()
NC = _INFO.num_cores
NS = _INFO.num_subcores
NW = NC * NS
L = _INFO.num_lanes

EDGES_PER_W = B // NW
CHUNK = 64
N_CHUNKS = EDGES_PER_W // CHUNK
TAIL = EDGES_PER_W - N_CHUNKS * CHUNK
N_PAIRS = N_CHUNKS // 2
GROUPS = CHUNK // L
STRIPE = 640


def _body(z_hbm, srci_hbm, dsti_hbm, out_hbm,
          ib_s0, ib_d0, ib_s1, ib_d1, sb0, db0, sb1, db1, ob0, ob1, jvecs,
          zsh, sem0, sem1, isem0, isem1, osem0, osem1):
    cid = lax.axis_index("c")
    sid = lax.axis_index("s")
    wid = sid * NC + cid
    base = wid * EDGES_PER_W

    zoff = jnp.minimum(sid * STRIPE, N_NODES - STRIPE)
    pltpu.sync_copy(z_hbm.at[pl.ds(zoff, STRIPE)], zsh.at[pl.ds(zoff, STRIPE)])
    plsc.subcore_barrier()

    lanes = lax.iota(jnp.int32, L)

    lane_base = lanes * D

    def build_jvec(j, carry):
        jvecs[j] = lane_base + ((j + lanes) & (D - 1))
        return carry

    lax.fori_loop(0, D, build_jvec, 0)
    zero16 = jnp.zeros((L,), jnp.int32)

    def issue_idx(c, ib_s, ib_d, isem):
        pltpu.async_copy(srci_hbm.at[pl.ds(base + c * CHUNK, CHUNK)], ib_s, isem)
        pltpu.async_copy(dsti_hbm.at[pl.ds(base + c * CHUNK, CHUNK)], ib_d, isem)

    def wait_idx(ib_s, ib_d, isem):
        pltpu.make_async_copy(srci_hbm.at[pl.ds(0, CHUNK)], ib_s, isem).wait()
        pltpu.make_async_copy(dsti_hbm.at[pl.ds(0, CHUNK)], ib_d, isem).wait()

    def issue_rows(ib_s, ib_d, sb, db, sem):
        pltpu.async_copy(zsh.at[ib_s], sb, sem)
        pltpu.async_copy(zsh.at[ib_d], db, sem)

    def wait_rows(ib_s, ib_d, sb, db, sem):
        pltpu.make_async_copy(zsh.at[ib_s], sb, sem).wait()
        pltpu.make_async_copy(zsh.at[ib_d], db, sem).wait()

    def wait_out(ob, osem):
        pltpu.make_async_copy(ob, out_hbm.at[pl.ds(0, CHUNK)], osem).wait()

    def compute(c, sb, db, ob, osem, ngroups=GROUPS):
        zero = jnp.zeros((L,), jnp.float32)
        JBLK = 8

        def block(b, accs):
            accs = list(accs)
            for jj in range(JBLK):
                jv = jvecs[b * JBLK + jj]
                for g in range(ngroups):
                    fidx = (jv + (g * L * D)) if g else jv
                    sv = plsc.load_gather(sb, [zero16, fidx])
                    dv = plsc.load_gather(db, [zero16, fidx])
                    accs[g] = accs[g] + sv * dv
            return tuple(accs)

        accs = lax.fori_loop(0, D // JBLK, block, (zero,) * ngroups)
        for g in range(ngroups):
            res = 1.0 / (1.0 + jnp.exp(-accs[g]))
            ob[pl.ds(g * L, L)] = res
        pltpu.async_copy(ob.at[pl.ds(0, ngroups * L)],
                         out_hbm.at[pl.ds(base + c * CHUNK, ngroups * L)], osem)

    issue_idx(0, ib_s0, ib_d0, isem0)
    issue_idx(1, ib_s1, ib_d1, isem1)
    wait_idx(ib_s0, ib_d0, isem0)
    issue_rows(ib_s0, ib_d0, sb0, db0, sem0)

    def pair(i, carry):
        c0 = 2 * i
        c1 = 2 * i + 1

        wait_idx(ib_s1, ib_d1, isem1)
        issue_rows(ib_s1, ib_d1, sb1, db1, sem1)

        wait_rows(ib_s0, ib_d0, sb0, db0, sem0)

        @pl.when(c0 + 2 < N_CHUNKS)
        def _():
            issue_idx(c0 + 2, ib_s0, ib_d0, isem0)

        @pl.when(i > 0)
        def _():
            wait_out(ob0, osem0)

        compute(c0, sb0, db0, ob0, osem0)

        @pl.when(c0 + 2 < N_CHUNKS)
        def _():
            wait_idx(ib_s0, ib_d0, isem0)
            issue_rows(ib_s0, ib_d0, sb0, db0, sem0)

        wait_rows(ib_s1, ib_d1, sb1, db1, sem1)

        @pl.when(c1 + 2 < N_CHUNKS)
        def _():
            issue_idx(c1 + 2, ib_s1, ib_d1, isem1)

        @pl.when(i > 0)
        def _():
            wait_out(ob1, osem1)

        compute(c1, sb1, db1, ob1, osem1)
        return carry

    lax.fori_loop(0, N_PAIRS, pair, 0)

    pltpu.async_copy(srci_hbm.at[pl.ds(base + N_CHUNKS * CHUNK, TAIL)],
                     ib_s0.at[pl.ds(0, TAIL)], isem0).wait()
    pltpu.async_copy(dsti_hbm.at[pl.ds(base + N_CHUNKS * CHUNK, TAIL)],
                     ib_d0.at[pl.ds(0, TAIL)], isem0).wait()
    pltpu.async_copy(zsh.at[ib_s0.at[pl.ds(0, TAIL)]],
                     sb0.at[pl.ds(0, TAIL)], sem0).wait()
    pltpu.async_copy(zsh.at[ib_d0.at[pl.ds(0, TAIL)]],
                     db0.at[pl.ds(0, TAIL)], sem0).wait()
    wait_out(ob0, osem0)
    compute(N_CHUNKS, sb0, db0, ob0, osem0, ngroups=TAIL // L)
    wait_out(ob1, osem1)
    pltpu.make_async_copy(ob0.at[pl.ds(0, TAIL)],
                          out_hbm.at[pl.ds(0, TAIL)], osem0).wait()


@jax.jit
def _run(z, src, dst):
    mesh = plsc.VectorSubcoreMesh(core_axis_name="c", subcore_axis_name="s")
    k = pl.kernel(
        _body,
        mesh=mesh,
        compiler_params=pltpu.CompilerParams(needs_layout_passes=False),
        out_type=jax.ShapeDtypeStruct((B,), jnp.float32),
        scratch_types=[
            pltpu.VMEM((CHUNK,), jnp.int32),
            pltpu.VMEM((CHUNK,), jnp.int32),
            pltpu.VMEM((CHUNK,), jnp.int32),
            pltpu.VMEM((CHUNK,), jnp.int32),
            pltpu.VMEM((CHUNK, D), jnp.float32),
            pltpu.VMEM((CHUNK, D), jnp.float32),
            pltpu.VMEM((CHUNK, D), jnp.float32),
            pltpu.VMEM((CHUNK, D), jnp.float32),
            pltpu.VMEM((CHUNK,), jnp.float32),
            pltpu.VMEM((CHUNK,), jnp.float32),
            pltpu.VMEM((D, L), jnp.int32),
            pltpu.VMEM_SHARED((N_NODES, D), jnp.float32),
            pltpu.SemaphoreType.DMA,
            pltpu.SemaphoreType.DMA,
            pltpu.SemaphoreType.DMA,
            pltpu.SemaphoreType.DMA,
            pltpu.SemaphoreType.DMA,
            pltpu.SemaphoreType.DMA,
        ],
    )
    return k(z, src, dst)


def kernel(z, edge_index):
    src = edge_index[0].astype(jnp.int32)
    dst = edge_index[1].astype(jnp.int32)
    return _run(z, src, dst)

# --- scband reference (transcript-rebuilt; emitter-appended) ---
"""Pipeline reference for scband-inner-product-decoder-16518444221229 (READ-ONLY COPY).

The authoritative reference and input builder live on the scoring server;
editing this copy changes nothing except your own understanding.
"""

import jax, jax.numpy as jnp
import numpy as np

def setup_inputs(seed: int = 0) -> dict:
    key = jax.random.key(seed)
    k1, k2 = jax.random.split(key)
    z = jax.random.normal(k1, (10000, 128), dtype=jnp.float32)
    edge_index = jax.random.randint(k2, (2, 320000), 0, 10000, dtype=jnp.int64)
    return {"z": z, "edge_index": edge_index}

def reference(z, edge_index):
    src = jnp.take(z, edge_index[0], axis=0)
    dst = jnp.take(z, edge_index[1], axis=0)
    value = jnp.sum(src * dst, axis=1)
    return jax.nn.sigmoid(value)

if __name__ == "__main__":
    import jax
    _d = setup_inputs()
    print(jax.jit(kernel)(*tuple(_d.values())))

</pallas_src>

<mosaic_0001>
#map = affine_map<(d0, d1) -> (0, 0)>
#map1 = affine_map<(d0, d1) -> (0)>
module attributes {stable_mosaic.version = 14 : i64} {
  func.func @_body(%arg0: i32, %arg1: i32, %arg2: memref<10000x128xf32, #tpu.memory_space<hbm>>, %arg3: memref<320000xi32, #tpu.memory_space<hbm>>, %arg4: memref<320000xi32, #tpu.memory_space<hbm>>, %arg5: memref<320000xf32, #tpu.memory_space<hbm>>, %arg6: memref<64xi32, #tpu.memory_space<vmem>>, %arg7: memref<64xi32, #tpu.memory_space<vmem>>, %arg8: memref<64xi32, #tpu.memory_space<vmem>>, %arg9: memref<64xi32, #tpu.memory_space<vmem>>, %arg10: memref<64x128xf32, #tpu.memory_space<vmem>>, %arg11: memref<64x128xf32, #tpu.memory_space<vmem>>, %arg12: memref<64x128xf32, #tpu.memory_space<vmem>>, %arg13: memref<64x128xf32, #tpu.memory_space<vmem>>, %arg14: memref<64xf32, #tpu.memory_space<vmem>>, %arg15: memref<64xf32, #tpu.memory_space<vmem>>, %arg16: memref<128x16xi32, #tpu.memory_space<vmem>>, %arg17: memref<10000x128xf32, #tpu.memory_space<vmem_shared>>, %arg18: memref<!tpu.dma_semaphore, #tpu.memory_space<semaphore_mem>>, %arg19: memref<!tpu.dma_semaphore, #tpu.memory_space<semaphore_mem>>, %arg20: memref<!tpu.dma_semaphore, #tpu.memory_space<semaphore_mem>>, %arg21: memref<!tpu.dma_semaphore, #tpu.memory_space<semaphore_mem>>, %arg22: memref<!tpu.dma_semaphore, #tpu.memory_space<semaphore_mem>>, %arg23: memref<!tpu.dma_semaphore, #tpu.memory_space<semaphore_mem>>) attributes {dimension_semantics = [#tpu.dimension_semantics<core_parallel>, #tpu.dimension_semantics<subcore_parallel>], iteration_bounds = array<i64: 2, 16>, scalar_prefetch = 0 : i64, scratch_operands = 18 : i64, tpu.core_type = #tpu.core_type<sc_vector_subcore>, window_params = [{transform_indices = #map}, {transform_indices = #map1}, {transform_indices = #map1}, {transform_indices = #map1}]} {
    %mul3A = arith.constant 2 : i32
    %mul3A_0 = arith.muli %arg1, %mul3A : i32
    %add3A = arith.addi %mul3A_0, %arg0 : i32
    %mul3A_1 = arith.constant 10000 : i32
    %mul3A_2 = arith.muli %add3A, %mul3A_1 : i32
    %mul3A_3 = arith.constant 640 : i32
    %mul3A_4 = arith.muli %arg1, %mul3A_3 : i32
    %min3A = arith.constant 9360 : i32
    %min3A_5 = arith.minsi %mul3A_4, %min3A : i32
    "tpu.region"() ({
      %run_scoped3A = tpu.sem_alloc : memref<!tpu.dma_semaphore, #tpu.memory_space<semaphore_mem>>
      %dma_start3A_149 = arith.constant 0 : i32
      %dma_start3A_150 = tpu.memref_slice %arg17[%min3A_5, %dma_start3A_149] : memref<10000x128xf32, #tpu.memory_space<vmem_shared>> -> memref<640x128xf32, #tpu.memory_space<vmem_shared>>
      %dma_start3A_151 = arith.constant 0 : i32
      %dma_start3A_152 = tpu.memref_slice %arg2[%min3A_5, %dma_start3A_151] : memref<10000x128xf32, #tpu.memory_space<hbm>> -> memref<640x128xf32, #tpu.memory_space<hbm>>
      tpu.enqueue_dma source(%dma_start3A_152 : memref<640x128xf32, #tpu.memory_space<hbm>>) target(%dma_start3A_150 : memref<640x128xf32, #tpu.memory_space<vmem_shared>>) target_semaphore(%run_scoped3A : memref<!tpu.dma_semaphore, #tpu.memory_space<semaphore_mem>>)
      %dma_wait3A_153 = arith.constant 0 : i32
      %dma_wait3A_154 = tpu.memref_slice %arg17[%min3A_5, %dma_wait3A_153] : memref<10000x128xf32, #tpu.memory_space<vmem_shared>> -> memref<640x128xf32, #tpu.memory_space<vmem_shared>>
      %dma_wait3A_155 = arith.constant 0 : i32
      %dma_wait3A_156 = tpu.memref_slice %arg2[%min3A_5, %dma_wait3A_155] : memref<10000x128xf32, #tpu.memory_space<hbm>> -> memref<640x128xf32, #tpu.memory_space<hbm>>
      tpu.wait_dma2 semaphore(%run_scoped3A : memref<!tpu.dma_semaphore, #tpu.memory_space<semaphore_mem>>) src(%dma_wait3A_156 : memref<640x128xf32, #tpu.memory_space<hbm>>) dst(%dma_wait3A_154 : memref<640x128xf32, #tpu.memory_space<vmem_shared>>)
      tpu.yield
    }) : () -> ()
    %barrier3A = arith.constant 0 : index
    tpu.barrier barrier_id(%barrier3A)
    %iota3A = tpu.iota {dimensions = array<i32: 0>} : vector<16xi32>
    %mul3A_6 = arith.constant 128 : i32
    %mul3A_7 = vector.broadcast %mul3A_6 : i32 to vector<16xi32>
    %mul3A_8 = arith.muli %iota3A, %mul3A_7 : vector<16xi32>
    %scan3A = arith.constant 0 : i32
    %scan3A_9 = arith.constant 0 : i32
    %scan3A_10 = arith.constant 128 : i32
    %scan3A_11 = arith.addi %scan3A_9, %scan3A_10 : i32
    %scan3A_12 = arith.constant 1 : i32
    scf.for %scan3A_149 = %scan3A_9 to %scan3A_11 step %scan3A_12  : i32 {
      %add3A_150 = vector.broadcast %scan3A_149 : i32 to vector<16xi32>
      %add3A_151 = arith.addi %add3A_150, %iota3A : vector<16xi32>
      %and3A = arith.constant 127 : i32
      %and3A_152 = vector.broadcast %and3A : i32 to vector<16xi32>
      %and3A_153 = arith.andi %add3A_151, %and3A_152 : vector<16xi32>
      %add3A_154 = arith.addi %mul3A_8, %and3A_153 : vector<16xi32>
      %swap3A_155 = arith.index_cast %scan3A_149 : i32 to index
      %swap3A_156 = arith.constant 0 : index
      %swap3A_157 = tpu.vector_load %arg16[%swap3A_155, %swap3A_156] {strides = array<i32>} : memref<128x16xi32, #tpu.memory_space<vmem>>, vector<16xi32>,
      tpu.vector_store %arg16[%swap3A_155, %swap3A_156], %add3A_154 {strides = array<i32>} : memref<128x16xi32, #tpu.memory_space<vmem>>, vector<16xi32>,
    }
    %scan3A_13 = arith.constant 128 : i32
    %broadcast_in_dim3A = arith.constant 0 : i32
    %broadcast_in_dim3A_14 = vector.broadcast %broadcast_in_dim3A : i32 to vector<16xi32>
    %add3A_15 = arith.constant 0 : i32
    %add3A_16 = arith.addi %mul3A_2, %add3A_15 : i32
    %dma_start3A = tpu.memref_slice %arg3[%add3A_16] : memref<320000xi32, #tpu.memory_space<hbm>> -> memref<64xi32, #tpu.memory_space<hbm>>
    %dma_start3A_17 = tpu.memref_slice %arg3[%add3A_16] : memref<320000xi32, #tpu.memory_space<hbm>> -> memref<64xi32, #tpu.memory_space<hbm>>
    tpu.enqueue_dma source(%dma_start3A_17 : memref<64xi32, #tpu.memory_space<hbm>>) target(%arg6 : memref<64xi32, #tpu.memory_space<vmem>>) target_semaphore(%arg20 : memref<!tpu.dma_semaphore, #tpu.memory_space<semaphore_mem>>)
    %add3A_18 = arith.constant 0 : i32
    %add3A_19 = arith.addi %mul3A_2, %add3A_18 : i32
    %dma_start3A_20 = tpu.memref_slice %arg4[%add3A_19] : memref<320000xi32, #tpu.memory_space<hbm>> -> memref<64xi32, #tpu.memory_space<hbm>>
    %dma_start3A_21 = tpu.memref_slice %arg4[%add3A_19] : memref<320000xi32, #tpu.memory_space<hbm>> -> memref<64xi32, #tpu.memory_space<hbm>>
    tpu.enqueue_dma source(%dma_start3A_21 : memref<64xi32, #tpu.memory_space<hbm>>) target(%arg7 : memref<64xi32, #tpu.memory_space<vmem>>) target_semaphore(%arg20 : memref<!tpu.dma_semaphore, #tpu.memory_space<semaphore_mem>>)
    %add3A_22 = arith.constant 64 : i32
    %add3A_23 = arith.addi %mul3A_2, %add3A_22 : i32
    %dma_start3A_24 = tpu.memref_slice %arg3[%add3A_23] : memref<320000xi32, #tpu.memory_space<hbm>> -> memref<64xi32, #tpu.memory_space<hbm>>
    %dma_start3A_25 = tpu.memref_slice %arg3[%add3A_23] : memref<320000xi32, #tpu.memory_space<hbm>> -> memref<64xi32, #tpu.memory_space<hbm>>
    tpu.enqueue_dma source(%dma_start3A_25 : memref<64xi32, #tpu.memory_space<hbm>>) target(%arg8 : memref<64xi32, #tpu.memory_space<vmem>>) target_semaphore(%arg21 : memref<!tpu.dma_semaphore, #tpu.memory_space<semaphore_mem>>)
    %add3A_26 = arith.constant 64 : i32
    %add3A_27 = arith.addi %mul3A_2, %add3A_26 : i32
    %dma_start3A_28 = tpu.memref_slice %arg4[%add3A_27] : memref<320000xi32, #tpu.memory_space<hbm>> -> memref<64xi32, #tpu.memory_space<hbm>>
    %dma_start3A_29 = tpu.memref_slice %arg4[%add3A_27] : memref<320000xi32, #tpu.memory_space<hbm>> -> memref<64xi32, #tpu.memory_space<hbm>>
    tpu.enqueue_dma source(%dma_start3A_29 : memref<64xi32, #tpu.memory_space<hbm>>) target(%arg9 : memref<64xi32, #tpu.memory_space<vmem>>) target_semaphore(%arg21 : memref<!tpu.dma_semaphore, #tpu.memory_space<semaphore_mem>>)
    %dma_wait3A = arith.constant 0 : i32
    %dma_wait3A_30 = tpu.memref_slice %arg3[%dma_wait3A] : memref<320000xi32, #tpu.memory_space<hbm>> -> memref<64xi32, #tpu.memory_space<hbm>>
    %dma_wait3A_31 = arith.constant 0 : i32
    %dma_wait3A_32 = tpu.memref_slice %arg3[%dma_wait3A_31] : memref<320000xi32, #tpu.memory_space<hbm>> -> memref<64xi32, #tpu.memory_space<hbm>>
    tpu.wait_dma2 semaphore(%arg20 : memref<!tpu.dma_semaphore, #tpu.memory_space<semaphore_mem>>) src(%dma_wait3A_32 : memref<64xi32, #tpu.memory_space<hbm>>) dst(%arg6 : memref<64xi32, #tpu.memory_space<vmem>>)
    %dma_wait3A_33 = arith.constant 0 : i32
    %dma_wait3A_34 = tpu.memref_slice %arg4[%dma_wait3A_33] : memref<320000xi32, #tpu.memory_space<hbm>> -> memref<64xi32, #tpu.memory_space<hbm>>
    %dma_wait3A_35 = arith.constant 0 : i32
    %dma_wait3A_36 = tpu.memref_slice %arg4[%dma_wait3A_35] : memref<320000xi32, #tpu.memory_space<hbm>> -> memref<64xi32, #tpu.memory_space<hbm>>
    tpu.wait_dma2 semaphore(%arg20 : memref<!tpu.dma_semaphore, #tpu.memory_space<semaphore_mem>>) src(%dma_wait3A_36 : memref<64xi32, #tpu.memory_space<hbm>>) dst(%arg7 : memref<64xi32, #tpu.memory_space<vmem>>)
    %dma_start3A_37 = arith.constant 0 : i32
    %dma_start3A_38 = arith.constant 0 : i32
    %dma_start3A_39 = tpu.memref_slice %arg17[%dma_start3A_37, %dma_start3A_38] : memref<10000x128xf32, #tpu.memory_space<vmem_shared>> -> memref<10000x128xf32, #tpu.memory_space<vmem_shared>>
    tpu.enqueue_indirect_dma source(%dma_start3A_39 : memref<10000x128xf32, #tpu.memory_space<vmem_shared>>) target(%arg10 : memref<64x128xf32, #tpu.memory_space<vmem>>) offsets(%arg6 : memref<64xi32, #tpu.memory_space<vmem>>) semaphore(%arg18 : memref<!tpu.dma_semaphore, #tpu.memory_space<semaphore_mem>>)
    %dma_start3A_40 = arith.constant 0 : i32
    %dma_start3A_41 = arith.constant 0 : i32
    %dma_start3A_42 = tpu.memref_slice %arg17[%dma_start3A_40, %dma_start3A_41] : memref<10000x128xf32, #tpu.memory_space<vmem_shared>> -> memref<10000x128xf32, #tpu.memory_space<vmem_shared>>
    tpu.enqueue_indirect_dma source(%dma_start3A_42 : memref<10000x128xf32, #tpu.memory_space<vmem_shared>>) target(%arg11 : memref<64x128xf32, #tpu.memory_space<vmem>>) offsets(%arg7 : memref<64xi32, #tpu.memory_space<vmem>>) semaphore(%arg18 : memref<!tpu.dma_semaphore, #tpu.memory_space<semaphore_mem>>)
    %scan3A_43 = arith.constant 0 : i32
    %scan3A_44 = arith.constant 0 : i32
    %scan3A_45 = arith.constant 78 : i32
    %scan3A_46 = arith.addi %scan3A_44, %scan3A_45 : i32
    %scan3A_47 = arith.constant 1 : i32
    scf.for %scan3A_149 = %scan3A_44 to %scan3A_46 step %scan3A_47  : i32 {
      %mul3A_150 = arith.constant 2 : i32
      %mul3A_151 = arith.muli %mul3A_150, %scan3A_149 : i32
      %mul3A_152 = arith.constant 2 : i32
      %mul3A_153 = arith.muli %mul3A_152, %scan3A_149 : i32
      %add3A_154 = arith.constant 1 : i32
      %add3A_155 = arith.addi %mul3A_153, %add3A_154 : i32
      %dma_wait3A_156 = arith.constant 0 : i32
      %dma_wait3A_157 = tpu.memref_slice %arg3[%dma_wait3A_156] : memref<320000xi32, #tpu.memory_space<hbm>> -> memref<64xi32, #tpu.memory_space<hbm>>
      %dma_wait3A_158 = arith.constant 0 : i32
      %dma_wait3A_159 = tpu.memref_slice %arg3[%dma_wait3A_158] : memref<320000xi32, #tpu.memory_space<hbm>> -> memref<64xi32, #tpu.memory_space<hbm>>
      tpu.wait_dma2 semaphore(%arg21 : memref<!tpu.dma_semaphore, #tpu.memory_space<semaphore_mem>>) src(%dma_wait3A_159 : memref<64xi32, #tpu.memory_space<hbm>>) dst(%arg8 : memref<64xi32, #tpu.memory_space<vmem>>)
      %dma_wait3A_160 = arith.constant 0 : i32
      %dma_wait3A_161 = tpu.memref_slice %arg4[%dma_wait3A_160] : memref<320000xi32, #tpu.memory_space<hbm>> -> memref<64xi32, #tpu.memory_space<hbm>>
      %dma_wait3A_162 = arith.constant 0 : i32
      %dma_wait3A_163 = tpu.memref_slice %arg4[%dma_wait3A_162] : memref<320000xi32, #tpu.memory_space<hbm>> -> memref<64xi32, #tpu.memory_space<hbm>>
      tpu.wait_dma2 semaphore(%arg21 : memref<!tpu.dma_semaphore, #tpu.memory_space<semaphore_mem>>) src(%dma_wait3A_163 : memref<64xi32, #tpu.memory_space<hbm>>) dst(%arg9 : memref<64xi32, #tpu.memory_space<vmem>>)
      %dma_start3A_164 = arith.constant 0 : i32
      %dma_start3A_165 = arith.constant 0 : i32
      %dma_start3A_166 = tpu.memref_slice %arg17[%dma_start3A_164, %dma_start3A_165] : memref<10000x128xf32, #tpu.memory_space<vmem_shared>> -> memref<10000x128xf32, #tpu.memory_space<vmem_shared>>
      tpu.enqueue_indirect_dma source(%dma_start3A_166 : memref<10000x128xf32, #tpu.memory_space<vmem_shared>>) target(%arg12 : memref<64x128xf32, #tpu.memory_space<vmem>>) offsets(%arg8 : memref<64xi32, #tpu.memory_space<vmem>>) semaphore(%arg19 : memref<!tpu.dma_semaphore, #tpu.memory_space<semaphore_mem>>)
      %dma_start3A_167 = arith.constant 0 : i32
      %dma_start3A_168 = arith.constant 0 : i32
      %dma_start3A_169 = tpu.memref_slice %arg17[%dma_start3A_167, %dma_start3A_168] : memref<10000x128xf32, #tpu.memory_space<vmem_shared>> -> memref<10000x128xf32, #tpu.memory_space<vmem_shared>>
      tpu.enqueue_indirect_dma source(%dma_start3A_169 : memref<10000x128xf32, #tpu.memory_space<vmem_shared>>) target(%arg13 : memref<64x128xf32, #tpu.memory_space<vmem>>) offsets(%arg9 : memref<64xi32, #tpu.memory_space<vmem>>) semaphore(%arg19 : memref<!tpu.dma_semaphore, #tpu.memory_space<semaphore_mem>>)
      %dma_wait3A_170 = arith.constant 0 : i32
      %dma_wait3A_171 = arith.constant 0 : i32
      %dma_wait3A_172 = tpu.memref_slice %arg17[%dma_wait3A_170, %dma_wait3A_171] : memref<10000x128xf32, #tpu.memory_space<vmem_shared>> -> memref<10000x128xf32, #tpu.memory_space<vmem_shared>>
      tpu.wait_indirect_dma semaphore(%arg18 : memref<!tpu.dma_semaphore, #tpu.memory_space<semaphore_mem>>) src(%dma_wait3A_172 : memref<10000x128xf32, #tpu.memory_space<vmem_shared>>) dst(%arg10 : memref<64x128xf32, #tpu.memory_space<vmem>>)
      %dma_wait3A_173 = arith.constant 0 : i32
      %dma_wait3A_174 = arith.constant 0 : i32
      %dma_wait3A_175 = tpu.memref_slice %arg17[%dma_wait3A_173, %dma_wait3A_174] : memref<10000x128xf32, #tpu.memory_space<vmem_shared>> -> memref<10000x128xf32, #tpu.memory_space<vmem_shared>>
      tpu.wait_indirect_dma semaphore(%arg18 : memref<!tpu.dma_semaphore, #tpu.memory_space<semaphore_mem>>) src(%dma_wait3A_175 : memref<10000x128xf32, #tpu.memory_space<vmem_shared>>) dst(%arg11 : memref<64x128xf32, #tpu.memory_space<vmem>>)
      %add3A_176 = arith.constant 2 : i32
      %add3A_177 = arith.addi %mul3A_151, %add3A_176 : i32
      %lt3A = arith.constant 156 : i32
      %lt3A_178 = arith.cmpi slt, %add3A_177, %lt3A : i32
      %convert_element_type3A = arith.extui %lt3A_178 : i1 to i32
      %cond3A = arith.constant 0 : i32
      %cond3A_179 = arith.cmpi ne, %convert_element_type3A, %cond3A : i32
      scf.if %cond3A_179 {
        %add3A_339 = arith.constant 2 : i32
        %add3A_340 = arith.addi %mul3A_151, %add3A_339 : i32
        %mul3A_341 = arith.constant 64 : i32
        %mul3A_342 = arith.muli %add3A_340, %mul3A_341 : i32
        %add3A_343 = arith.addi %mul3A_2, %mul3A_342 : i32
        %dma_start3A_344 = tpu.memref_slice %arg3[%add3A_343] : memref<320000xi32, #tpu.memory_space<hbm>> -> memref<64xi32, #tpu.memory_space<hbm>>
        %dma_start3A_345 = tpu.memref_slice %arg3[%add3A_343] : memref<320000xi32, #tpu.memory_space<hbm>> -> memref<64xi32, #tpu.memory_space<hbm>>
        tpu.enqueue_dma source(%dma_start3A_345 : memref<64xi32, #tpu.memory_space<hbm>>) target(%arg6 : memref<64xi32, #tpu.memory_space<vmem>>) target_semaphore(%arg20 : memref<!tpu.dma_semaphore, #tpu.memory_space<semaphore_mem>>)
        %mul3A_346 = arith.constant 64 : i32
        %mul3A_347 = arith.muli %add3A_340, %mul3A_346 : i32
        %add3A_348 = arith.addi %mul3A_2, %mul3A_347 : i32
        %dma_start3A_349 = tpu.memref_slice %arg4[%add3A_348] : memref<320000xi32, #tpu.memory_space<hbm>> -> memref<64xi32, #tpu.memory_space<hbm>>
        %dma_start3A_350 = tpu.memref_slice %arg4[%add3A_348] : memref<320000xi32, #tpu.memory_space<hbm>> -> memref<64xi32, #tpu.memory_space<hbm>>
        tpu.enqueue_dma source(%dma_start3A_350 : memref<64xi32, #tpu.memory_space<hbm>>) target(%arg7 : memref<64xi32, #tpu.memory_space<vmem>>) target_semaphore(%arg20 : memref<!tpu.dma_semaphore, #tpu.memory_space<semaphore_mem>>)
      } else {
      }
      %gt3A = arith.constant 0 : i32
      %gt3A_180 = arith.cmpi sgt, %scan3A_149, %gt3A : i32
      %convert_element_type3A_181 = arith.extui %gt3A_180 : i1 to i32
      %cond3A_182 = arith.constant 0 : i32
      %cond3A_183 = arith.cmpi ne, %convert_element_type3A_181, %cond3A_182 : i32
      scf.if %cond3A_183 {
        %dma_wait3A_339 = arith.constant 0 : i32
        %dma_wait3A_340 = tpu.memref_slice %arg5[%dma_wait3A_339] : memref<320000xf32, #tpu.memory_space<hbm>> -> memref<64xf32, #tpu.memory_space<hbm>>
        %dma_wait3A_341 = arith.constant 0 : i32
        %dma_wait3A_342 = tpu.memref_slice %arg5[%dma_wait3A_341] : memref<320000xf32, #tpu.memory_space<hbm>> -> memref<64xf32, #tpu.memory_space<hbm>>
        tpu.wait_dma2 semaphore(%arg22 : memref<!tpu.dma_semaphore, #tpu.memory_space<semaphore_mem>>) src(%arg14 : memref<64xf32, #tpu.memory_space<vmem>>) dst(%dma_wait3A_342 : memref<64xf32, #tpu.memory_space<hbm>>)
      } else {
      }
      %broadcast_in_dim3A_184 = arith.constant 0.000000e+00 : f32
      %broadcast_in_dim3A_185 = vector.broadcast %broadcast_in_dim3A_184 : f32 to vector<16xf32>
      %scan3A_186 = arith.constant 0 : i32
      %scan3A_187 = arith.constant 16 : i32
      %scan3A_188 = arith.addi %scan3A_186, %scan3A_187 : i32
      %scan3A_189 = arith.constant 1 : i32
      %scan3A_190:4 = scf.for %scan3A_339 = %scan3A_186 to %scan3A_188 step %scan3A_189 iter_args(%scan3A_340 = %broadcast_in_dim3A_185, %scan3A_341 = %broadcast_in_dim3A_185, %scan3A_342 = %broadcast_in_dim3A_185, %scan3A_343 = %broadcast_in_dim3A_185) -> (vector<16xf32>, vector<16xf32>, vector<16xf32>, vector<16xf32>)  : i32 {
        %mul3A_344 = arith.constant 8 : i32
        %mul3A_345 = arith.muli %scan3A_339, %mul3A_344 : i32
        %add3A_346 = arith.constant 0 : i32
        %add3A_347 = arith.addi %mul3A_345, %add3A_346 : i32
        %get3A = arith.index_cast %add3A_347 : i32 to index
        %get3A_348 = arith.constant 0 : index
        %get3A_349 = tpu.vector_load %arg16[%get3A, %get3A_348] {strides = array<i32>} : memref<128x16xi32, #tpu.memory_space<vmem>>, vector<16xi32>,
        %gather3A = tpu.vector_load_idx %arg10[%broadcast_in_dim3A_14, %get3A_349] : memref<64x128xf32, #tpu.memory_space<vmem>>[vector<16xi32>, vector<16xi32>], vector<16xf32>,
        %gather3A_350 = tpu.vector_load_idx %arg11[%broadcast_in_dim3A_14, %get3A_349] : memref<64x128xf32, #tpu.memory_space<vmem>>[vector<16xi32>, vector<16xi32>], vector<16xf32>,
        %mul3A_351 = arith.mulf %gather3A, %gather3A_350 : vector<16xf32>
        %add3A_352 = arith.addf %scan3A_340, %mul3A_351 : vector<16xf32>
        %add3A_353 = arith.constant 2048 : i32
        %add3A_354 = vector.broadcast %add3A_353 : i32 to vector<16xi32>
        %add3A_355 = arith.addi %get3A_349, %add3A_354 : vector<16xi32>
        %gather3A_356 = tpu.vector_load_idx %arg10[%broadcast_in_dim3A_14, %add3A_355] : memref<64x128xf32, #tpu.memory_space<vmem>>[vector<16xi32>, vector<16xi32>], vector<16xf32>,
        %gather3A_357 = tpu.vector_load_idx %arg11[%broadcast_in_dim3A_14, %add3A_355] : memref<64x128xf32, #tpu.memory_space<vmem>>[vector<16xi32>, vector<16xi32>], vector<16xf32>,
        %mul3A_358 = arith.mulf %gather3A_356, %gather3A_357 : vector<16xf32>
        %add3A_359 = arith.addf %scan3A_341, %mul3A_358 : vector<16xf32>
        %add3A_360 = arith.constant 4096 : i32
        %add3A_361 = vector.broadcast %add3A_360 : i32 to vector<16xi32>
        %add3A_362 = arith.addi %get3A_349, %add3A_361 : vector<16xi32>
        %gather3A_363 = tpu.vector_load_idx %arg10[%broadcast_in_dim3A_14, %add3A_362] : memref<64x128xf32, #tpu.memory_space<vmem>>[vector<16xi32>, vector<16xi32>], vector<16xf32>,
        %gather3A_364 = tpu.vector_load_idx %arg11[%broadcast_in_dim3A_14, %add3A_362] : memref<64x128xf32, #tpu.memory_space<vmem>>[vector<16xi32>, vector<16xi32>], vector<16xf32>,
        %mul3A_365 = arith.mulf %gather3A_363, %gather3A_364 : vector<16xf32>
        %add3A_366 = arith.addf %scan3A_342, %mul3A_365 : vector<16xf32>
        %add3A_367 = arith.constant 6144 : i32
        %add3A_368 = vector.broadcast %add3A_367 : i32 to vector<16xi32>
        %add3A_369 = arith.addi %get3A_349, %add3A_368 : vector<16xi32>
        %gather3A_370 = tpu.vector_load_idx %arg10[%broadcast_in_dim3A_14, %add3A_369] : memref<64x128xf32, #tpu.memory_space<vmem>>[vector<16xi32>, vector<16xi32>], vector<16xf32>,
        %gather3A_371 = tpu.vector_load_idx %arg11[%broadcast_in_dim3A_14, %add3A_369] : memref<64x128xf32, #tpu.memory_space<vmem>>[vector<16xi32>, vector<16xi32>], vector<16xf32>,
        %mul3A_372 = arith.mulf %gather3A_370, %gather3A_371 : vector<16xf32>
        %add3A_373 = arith.addf %scan3A_343, %mul3A_372 : vector<16xf32>
        %mul3A_374 = arith.constant 8 : i32
        %mul3A_375 = arith.muli %scan3A_339, %mul3A_374 : i32
        %add3A_376 = arith.constant 1 : i32
        %add3A_377 = arith.addi %mul3A_375, %add3A_376 : i32
        %get3A_378 = arith.index_cast %add3A_377 : i32 to index
        %get3A_379 = arith.constant 0 : index
        %get3A_380 = tpu.vector_load %arg16[%get3A_378, %get3A_379] {strides = array<i32>} : memref<128x16xi32, #tpu.memory_space<vmem>>, vector<16xi32>,
        %gather3A_381 = tpu.vector_load_idx %arg10[%broadcast_in_dim3A_14, %get3A_380] : memref<64x128xf32, #tpu.memory_space<vmem>>[vector<16xi32>, vector<16xi32>], vector<16xf32>,
        %gather3A_382 = tpu.vector_load_idx %arg11[%broadcast_in_dim3A_14, %get3A_380] : memref<64x128xf32, #tpu.memory_space<vmem>>[vector<16xi32>, vector<16xi32>], vector<16xf32>,
        %mul3A_383 = arith.mulf %gather3A_381, %gather3A_382 : vector<16xf32>
        %add3A_384 = arith.addf %add3A_352, %mul3A_383 : vector<16xf32>
        %add3A_385 = arith.constant 2048 : i32
        %add3A_386 = vector.broadcast %add3A_385 : i32 to vector<16xi32>
        %add3A_387 = arith.addi %get3A_380, %add3A_386 : vector<16xi32>
        %gather3A_388 = tpu.vector_load_idx %arg10[%broadcast_in_dim3A_14, %add3A_387] : memref<64x128xf32, #tpu.memory_space<vmem>>[vector<16xi32>, vector<16xi32>], vector<16xf32>,
        %gather3A_389 = tpu.vector_load_idx %arg11[%broadcast_in_dim3A_14, %add3A_387] : memref<64x128xf32, #tpu.memory_space<vmem>>[vector<16xi32>, vector<16xi32>], vector<16xf32>,
        %mul3A_390 = arith.mulf %gather3A_388, %gather3A_389 : vector<16xf32>
        %add3A_391 = arith.addf %add3A_359, %mul3A_390 : vector<16xf32>
        %add3A_392 = arith.constant 4096 : i32
        %add3A_393 = vector.broadcast %add3A_392 : i32 to vector<16xi32>
        %add3A_394 = arith.addi %get3A_380, %add3A_393 : vector<16xi32>
        %gather3A_395 = tpu.vector_load_idx %arg10[%broadcast_in_dim3A_14, %add3A_394] : memref<64x128xf32, #tpu.memory_space<vmem>>[vector<16xi32>, vector<16xi32>], vector<16xf32>,
        %gather3A_396 = tpu.vector_load_idx %arg11[%broadcast_in_dim3A_14, %add3A_394] : memref<64x128xf32, #tpu.memory_space<vmem>>[vector<16xi32>, vector<16xi32>], vector<16xf32>,
        %mul3A_397 = arith.mulf %gather3A_395, %gather3A_396 : vector<16xf32>
        %add3A_398 = arith.addf %add3A_366, %mul3A_397 : vector<16xf32>
        %add3A_399 = arith.constant 6144 : i32
        %add3A_400 = vector.broadcast %add3A_399 : i32 to vector<16xi32>
        %add3A_401 = arith.addi %get3A_380, %add3A_400 : vector<16xi32>
        %gather3A_402 = tpu.vector_load_idx %arg10[%broadcast_in_dim3A_14, %add3A_401] : memref<64x128xf32, #tpu.memory_space<vmem>>[vector<16xi32>, vector<16xi32>], vector<16xf32>,
        %gather3A_403 = tpu.vector_load_idx %arg11[%broadcast_in_dim3A_14, %add3A_401] : memref<64x128xf32, #tpu.memory_space<vmem>>[vector<16xi32>, vector<16xi32>], vector<16xf32>,
        %mul3A_404 = arith.mulf %gather3A_402, %gather3A_403 : vector<16xf32>
        %add3A_405 = arith.addf %add3A_373, %mul3A_404 : vector<16xf32>
        %mul3A_406 = arith.constant 8 : i32
        %mul3A_407 = arith.muli %scan3A_339, %mul3A_406 : i32
        %add3A_408 = arith.constant 2 : i32
        %add3A_409 = arith.addi %mul3A_407, %add3A_408 : i32
        %get3A_410 = arith.index_cast %add3A_409 : i32 to index
        %get3A_411 = arith.constant 0 : index
        %get3A_412 = tpu.vector_load %arg16[%get3A_410, %get3A_411] {strides = array<i32>} : memref<128x16xi32, #tpu.memory_space<vmem>>, vector<16xi32>,
        %gather3A_413 = tpu.vector_load_idx %arg10[%broadcast_in_dim3A_14, %get3A_412] : memref<64x128xf32, #tpu.memory_space<vmem>>[vector<16xi32>, vector<16xi32>], vector<16xf32>,
        %gather3A_414 = tpu.vector_load_idx %arg11[%broadcast_in_dim3A_14, %get3A_412] : memref<64x128xf32, #tpu.memory_space<vmem>>[vector<16xi32>, vector<16xi32>], vector<16xf32>,
        %mul3A_415 = arith.mulf %gather3A_413, %gather3A_414 : vector<16xf32>
        %add3A_416 = arith.addf %add3A_384, %mul3A_415 : vector<16xf32>
        %add3A_417 = arith.constant 2048 : i32
        %add3A_418 = vector.broadcast %add3A_417 : i32 to vector<16xi32>
        %add3A_419 = arith.addi %get3A_412, %add3A_418 : vector<16xi32>
        %gather3A_420 = tpu.vector_load_idx %arg10[%broadcast_in_dim3A_14, %add3A_419] : memref<64x128xf32, #tpu.memory_space<vmem>>[vector<16xi32>, vector<16xi32>], vector<16xf32>,
        %gather3A_421 = tpu.vector_load_idx %arg11[%broadcast_in_dim3A_14, %add3A_419] : memref<64x128xf32, #tpu.memory_space<vmem>>[vector<16xi32>, vector<16xi32>], vector<16xf32>,
        %mul3A_422 = arith.mulf %gather3A_420, %gather3A_421 : vector<16xf32>
        %add3A_423 = arith.addf %add3A_391, %mul3A_422 : vector<16xf32>
        %add3A_424 = arith.constant 4096 : i32
        %add3A_425 = vector.broadcast %add3A_424 : i32 to vector<16xi32>
        %add3A_426 = arith.addi %get3A_412, %add3A_425 : vector<16xi32>
        %gather3A_427 = tpu.vector_load_idx %arg10[%broadcast_in_dim3A_14, %add3A_426] : memref<64x128xf32, #tpu.memory_space<vmem>>[vector<16xi32>, vector<16xi32>], vector<16xf32>,
        %gather3A_428 = tpu.vector_load_idx %arg11[%broadcast_in_dim3A_14, %add3A_426] : memref<64x128xf32, #tpu.memory_space<vmem>>[vector<16xi32>, vector<16xi32>], vector<16xf32>,
        %mul3A_429 = arith.mulf %gather3A_427, %gather3A_428 : vector<16xf32>
        %add3A_430 = arith.addf %add3A_398, %mul3A_429 : vector<16xf32>
        %add3A_431 = arith.constant 6144 : i32
        %add3A_432 = vector.broadcast %add3A_431 : i32 to vector<16xi32>
        %add3A_433 = arith.addi %get3A_412, %add3A_432 : vector<16xi32>
        %gather3A_434 = tpu.vector_load_idx %arg10[%broadcast_in_dim3A_14, %add3A_433] : memref<64x128xf32, #tpu.memory_space<vmem>>[vector<16xi32>, vector<16xi32>], vector<16xf32>,
        %gather3A_435 = tpu.vector_load_idx %arg11[%broadcast_in_dim3A_14, %add3A_433] : memref<64x128xf32, #tpu.memory_space<vmem>>[vector<16xi32>, vector<16xi32>], vector<16xf32>,
        %mul3A_436 = arith.mulf %gather3A_434, %gather3A_435 : vector<16xf32>
        %add3A_437 = arith.addf %add3A_405, %mul3A_436 : vector<16xf32>
        %mul3A_438 = arith.constant 8 : i32
        %mul3A_439 = arith.muli %scan3A_339, %mul3A_438 : i32
        %add3A_440 = arith.constant 3 : i32
        %add3A_441 = arith.addi %mul3A_439, %add3A_440 : i32
        %get3A_442 = arith.index_cast %add3A_441 : i32 to index
        %get3A_443 = arith.constant 0 : index
        %get3A_444 = tpu.vector_load %arg16[%get3A_442, %get3A_443] {strides = array<i32>} : memref<128x16xi32, #tpu.memory_space<vmem>>, vector<16xi32>,
        %gather3A_445 = tpu.vector_load_idx %arg10[%broadcast_in_dim3A_14, %get3A_444] : memref<64x128xf32, #tpu.memory_space<vmem>>[vector<16xi32>, vector<16xi32>], vector<16xf32>,
        %gather3A_446 = tpu.vector_load_idx %arg11[%broadcast_in_dim3A_14, %get3A_444] : memref<64x128xf32, #tpu.memory_space<vmem>>[vector<16xi32>, vector<16xi32>], vector<16xf32>,
        %mul3A_447 = arith.mulf %gather3A_445, %gather3A_446 : vector<16xf32>
        %add3A_448 = arith.addf %add3A_416, %mul3A_447 : vector<16xf32>
        %add3A_449 = arith.constant 2048 : i32
        %add3A_450 = vector.broadcast %add3A_449 : i32 to vector<16xi32>
        %add3A_451 = arith.addi %get3A_444, %add3A_450 : vector<16xi32>
        %gather3A_452 = tpu.vector_load_idx %arg10[%broadcast_in_dim3A_14, %add3A_451] : memref<64x128xf32, #tpu.memory_space<vmem>>[vector<16xi32>, vector<16xi32>], vector<16xf32>,
        %gather3A_453 = tpu.vector_load_idx %arg11[%broadcast_in_dim3A_14, %add3A_451] : memref<64x128xf32, #tpu.memory_space<vmem>>[vector<16xi32>, vector<16xi32>], vector<16xf32>,
        %mul3A_454 = arith.mulf %gather3A_452, %gather3A_453 : vector<16xf32>
        %add3A_455 = arith.addf %add3A_423, %mul3A_454 : vector<16xf32>
        %add3A_456 = arith.constant 4096 : i32
        %add3A_457 = vector.broadcast %add3A_456 : i32 to vector<16xi32>
        %add3A_458 = arith.addi %get3A_444, %add3A_457 : vector<16xi32>
        %gather3A_459 = tpu.vector_load_idx %arg10[%broadcast_in_dim3A_14, %add3A_458] : memref<64x128xf32, #tpu.memory_space<vmem>>[vector<16xi32>, vector<16xi32>], vector<16xf32>,
        %gather3A_460 = tpu.vector_load_idx %arg11[%broadcast_in_dim3A_14, %add3A_458] : memref<64x128xf32, #tpu.memory_space<vmem>>[vector<16xi32>, vector<16xi32>], vector<16xf32>,
        %mul3A_461 = arith.mulf %gather3A_459, %gather3A_460 : vector<16xf32>
        %add3A_462 = arith.addf %add3A_430, %mul3A_461 : vector<16xf32>
        %add3A_463 = arith.constant 6144 : i32
        %add3A_464 = vector.broadcast %add3A_463 : i32 to vector<16xi32>
        %add3A_465 = arith.addi %get3A_444, %add3A_464 : vector<16xi32>
        %gather3A_466 = tpu.vector_load_idx %arg10[%broadcast_in_dim3A_14, %add3A_465] : memref<64x128xf32, #tpu.memory_space<vmem>>[vector<16xi32>, vector<16xi32>], vector<16xf32>,
        %gather3A_467 = tpu.vector_load_idx %arg11[%broadcast_in_dim3A_14, %add3A_465] : memref<64x128xf32, #tpu.memory_space<vmem>>[vector<16xi32>, vector<16xi32>], vector<16xf32>,
        %mul3A_468 = arith.mulf %gather3A_466, %gather3A_467 : vector<16xf32>
        %add3A_469 = arith.addf %add3A_437, %mul3A_468 : vector<16xf32>
        %mul3A_470 = arith.constant 8 : i32
        %mul3A_471 = arith.muli %scan3A_339, %mul3A_470 : i32
        %add3A_472 = arith.constant 4 : i32
        %add3A_473 = arith.addi %mul3A_471, %add3A_472 : i32
        %get3A_474 = arith.index_cast %add3A_473 : i32 to index
        %get3A_475 = arith.constant 0 : index
        %get3A_476 = tpu.vector_load %arg16[%get3A_474, %get3A_475] {strides = array<i32>} : memref<128x16xi32, #tpu.memory_space<vmem>>, vector<16xi32>,
        %gather3A_477 = tpu.vector_load_idx %arg10[%broadcast_in_dim3A_14, %get3A_476] : memref<64x128xf32, #tpu.memory_space<vmem>>[vector<16xi32>, vector<16xi32>], vector<16xf32>,
        %gather3A_478 = tpu.vector_load_idx %arg11[%broadcast_in_dim3A_14, %get3A_476] : memref<64x128xf32, #tpu.memory_space<vmem>>[vector<16xi32>, vector<16xi32>], vector<16xf32>,
        %mul3A_479 = arith.mulf %gather3A_477, %gather3A_478 : vector<16xf32>
        %add3A_480 = arith.addf %add3A_448, %mul3A_479 : vector<16xf32>
        %add3A_481 = arith.constant 2048 : i32
        %add3A_482 = vector.broadcast %add3A_481 : i32 to vector<16xi32>
        %add3A_483 = arith.addi %get3A_476, %add3A_482 : vector<16xi32>
        %gather3A_484 = tpu.vector_load_idx %arg10[%broadcast_in_dim3A_14, %add3A_483] : memref<64x128xf32, #tpu.memory_space<vmem>>[vector<16xi32>, vector<16xi32>], vector<16xf32>,
        %gather3A_485 = tpu.vector_load_idx %arg11[%broadcast_in_dim3A_14, %add3A_483] : memref<64x128xf32, #tpu.memory_space<vmem>>[vector<16xi32>, vector<16xi32>], vector<16xf32>,
        %mul3A_486 = arith.mulf %gather3A_484, %gather3A_485 : vector<16xf32>
        %add3A_487 = arith.addf %add3A_455, %mul3A_486 : vector<16xf32>
        %add3A_488 = arith.constant 4096 : i32
        %add3A_489 = vector.broadcast %add3A_488 : i32 to vector<16xi32>
        %add3A_490 = arith.addi %get3A_476, %add3A_489 : vector<16xi32>
        %gather3A_491 = tpu.vector_load_idx %arg10[%broadcast_in_dim3A_14, %add3A_490] : memref<64x128xf32, #tpu.memory_space<vmem>>[vector<16xi32>, vector<16xi32>], vector<16xf32>,
        %gather3A_492 = tpu.vector_load_idx %arg11[%broadcast_in_dim3A_14, %add3A_490] : memref<64x128xf32, #tpu.memory_space<vmem>>[vector<16xi32>, vector<16xi32>], vector<16xf32>,
        %mul3A_493 = arith.mulf %gather3A_491, %gather3A_492 : vector<16xf32>
        %add3A_494 = arith.addf %add3A_462, %mul3A_493 : vector<16xf32>
        %add3A_495 = arith.constant 6144 : i32
        %add3A_496 = vector.broadcast %add3A_495 : i32 to vector<16xi32>
        %add3A_497 = arith.addi %get3A_476, %add3A_496 : vector<16xi32>
        %gather3A_498 = tpu.vector_load_idx %arg10[%broadcast_in_dim3A_14, %add3A_497] : memref<64x128xf32, #tpu.memory_space<vmem>>[vector<16xi32>, vector<16xi32>], vector<16xf32>,
        %gather3A_499 = tpu.vector_load_idx %arg11[%broadcast_in_dim3A_14, %add3A_497] : memref<64x128xf32, #tpu.memory_space<vmem>>[vector<16xi32>, vector<16xi32>], vector<16xf32>,
        %mul3A_500 = arith.mulf %gather3A_498, %gather3A_499 : vector<16xf32>
        %add3A_501 = arith.addf %add3A_469, %mul3A_500 : vector<16xf32>
        %mul3A_502 = arith.constant 8 : i32
        %mul3A_503 = arith.muli %scan3A_339, %mul3A_502 : i32
        %add3A_504 = arith.constant 5 : i32
        %add3A_505 = arith.addi %mul3A_503, %add3A_504 : i32
        %get3A_506 = arith.index_cast %add3A_505 : i32 to index
        %get3A_507 = arith.constant 0 : index
        %get3A_508 = tpu.vector_load %arg16[%get3A_506, %get3A_507] {strides = array<i32>} : memref<128x16xi32, #tpu.memory_space<vmem>>, vector<16xi32>,
        %gather3A_509 = tpu.vector_load_idx %arg10[%broadcast_in_dim3A_14, %get3A_508] : memref<64x128xf32, #tpu.memory_space<vmem>>[vector<16xi32>, vector<16xi32>], vector<16xf32>,
        %gather3A_510 = tpu.vector_load_idx %arg11[%broadcast_in_dim3A_14, %get3A_508] : memref<64x128xf32, #tpu.memory_space<vmem>>[vector<16xi32>, vector<16xi32>], vector<16xf32>,
        %mul3A_511 = arith.mulf %gather3A_509, %gather3A_510 : vector<16xf32>
        %add3A_512 = arith.addf %add3A_480, %mul3A_511 : vector<16xf32>
        %add3A_513 = arith.constant 2048 : i32
        %add3A_514 = vector.broadcast %add3A_513 : i32 to vector<16xi32>
        %add3A_515 = arith.addi %get3A_508, %add3A_514 : vector<16xi32>
        %gather3A_516 = tpu.vector_load_idx %arg10[%broadcast_in_dim3A_14, %add3A_515] : memref<64x128xf32, #tpu.memory_space<vmem>>[vector<16xi32>, vector<16xi32>], vector<16xf32>,
        %gather3A_517 = tpu.vector_load_idx %arg11[%broadcast_in_dim3A_14, %add3A_515] : memref<64x128xf32, #tpu.memory_space<vmem>>[vector<16xi32>, vector<16xi32>], vector<16xf32>,
        %mul3A_518 = arith.mulf %gather3A_516, %gather3A_517 : vector<16xf32>
        %add3A_519 = arith.addf %add3A_487, %mul3A_518 : vector<16xf32>
        %add3A_520 = arith.constant 4096 : i32
        %add3A_521 = vector.broadcast %add3A_520 : i32 to vector<16xi32>
        %add3A_522 = arith.addi %get3A_508, %add3A_521 : vector<16xi32>
        %gather3A_523 = tpu.vector_load_idx %arg10[%broadcast_in_dim3A_14, %add3A_522] : memref<64x128xf32, #tpu.memory_space<vmem>>[vector<16xi32>, vector<16xi32>], vector<16xf32>,
        %gather3A_524 = tpu.vector_load_idx %arg11[%broadcast_in_dim3A_14, %add3A_522] : memref<64x128xf32, #tpu.memory_space<vmem>>[vector<16xi32>, vector<16xi32>], vector<16xf32>,
        %mul3A_525 = arith.mulf %gather3A_523, %gather3A_524 : vector<16xf32>
        %add3A_526 = arith.addf %add3A_494, %mul3A_525 : vector<16xf32>
        %add3A_527 = arith.constant 6144 : i32
        %add3A_528 = vector.broadcast %add3A_527 : i32 to vector<16xi32>
        %add3A_529 = arith.addi %get3A_508, %add3A_528 : vector<16xi32>
        %gather3A_530 = tpu.vector_load_idx %arg10[%broadcast_in_dim3A_14, %add3A_529] : memref<64x128xf32, #tpu.memory_space<vmem>>[vector<16xi32>, vector<16xi32>], vector<16xf32>,
        %gather3A_531 = tpu.vector_load_idx %arg11[%broadcast_in_dim3A_14, %add3A_529] : memref<64x128xf32, #tpu.memory_space<vmem>>[vector<16xi32>, vector<16xi32>], vector<16xf32>,
        %mul3A_532 = arith.mulf %gather3A_530, %gather3A_531 : vector<16xf32>
        %add3A_533 = arith.addf %add3A_501, %mul3A_532 : vector<16xf32>
        %mul3A_534 = arith.constant 8 : i32
        %mul3A_535 = arith.muli %scan3A_339, %mul3A_534 : i32
        %add3A_536 = arith.constant 6 : i32
        %add3A_537 = arith.addi %mul3A_535, %add3A_536 : i32
        %get3A_538 = arith.index_cast %add3A_537 : i32 to index
        %get3A_539 = arith.constant 0 : index
        %get3A_540 = tpu.vector_load %arg16[%get3A_538, %get3A_539] {strides = array<i32>} : memref<128x16xi32, #tpu.memory_space<vmem>>, vector<16xi32>,
        %gather3A_541 = tpu.vector_load_idx %arg10[%broadcast_in_dim3A_14, %get3A_540] : memref<64x128xf32, #tpu.memory_space<vmem>>[vector<16xi32>, vector<16xi32>], vector<16xf32>,
        %gather3A_542 = tpu.vector_load_idx %arg11[%broadcast_in_dim3A_14, %get3A_540] : memref<64x128xf32, #tpu.memory_space<vmem>>[vector<16xi32>, vector<16xi32>], vector<16xf32>,
        %mul3A_543 = arith.mulf %gather3A_541, %gather3A_542 : vector<16xf32>
        %add3A_544 = arith.addf %add3A_512, %mul3A_543 : vector<16xf32>
        %add3A_545 = arith.constant 2048 : i32
        %add3A_546 = vector.broadcast %add3A_545 : i32 to vector<16xi32>
        %add3A_547 = arith.addi %get3A_540, %add3A_546 : vector<16xi32>
        %gather3A_548 = tpu.vector_load_idx %arg10[%broadcast_in_dim3A_14, %add3A_547] : memref<64x128xf32, #tpu.memory_space<vmem>>[vector<16xi32>, vector<16xi32>], vector<16xf32>,
        %gather3A_549 = tpu.vector_load_idx %arg11[%broadcast_in_dim3A_14, %add3A_547] : memref<64x128xf32, #tpu.memory_space<vmem>>[vector<16xi32>, vector<16xi32>], vector<16xf32>,
        %mul3A_550 = arith.mulf %gather3A_548, %gather3A_549 : vector<16xf32>
        %add3A_551 = arith.addf %add3A_519, %mul3A_550 : vector<16xf32>
        %add3A_552 = arith.constant 4096 : i32
        %add3A_553 = vector.broadcast %add3A_552 : i32 to vector<16xi32>
        %add3A_554 = arith.addi %get3A_540, %add3A_553 : vector<16xi32>
        %gather3A_555 = tpu.vector_load_idx %arg10[%broadcast_in_dim3A_14, %add3A_554] : memref<64x128xf32, #tpu.memory_space<vmem>>[vector<16xi32>, vector<16xi32>], vector<16xf32>,
        %gather3A_556 = tpu.vector_load_idx %arg11[%broadcast_in_dim3A_14, %add3A_554] : memref<64x128xf32, #tpu.memory_space<vmem>>[vector<16xi32>, vector<16xi32>], vector<16xf32>,
        %mul3A_557 = arith.mulf %gather3A_555, %gather3A_556 : vector<16xf32>
        %add3A_558 = arith.addf %add3A_526, %mul3A_557 : vector<16xf32>
        %add3A_559 = arith.constant 6144 : i32
        %add3A_560 = vector.broadcast %add3A_559 : i32 to vector<16xi32>
        %add3A_561 = arith.addi %get3A_540, %add3A_560 : vector<16xi32>
        %gather3A_562 = tpu.vector_load_idx %arg10[%broadcast_in_dim3A_14, %add3A_561] : memref<64x128xf32, #tpu.memory_space<vmem>>[vector<16xi32>, vector<16xi32>], vector<16xf32>,
        %gather3A_563 = tpu.vector_load_idx %arg11[%broadcast_in_dim3A_14, %add3A_561] : memref<64x128xf32, #tpu.memory_space<vmem>>[vector<16xi32>, vector<16xi32>], vector<16xf32>,
        %mul3A_564 = arith.mulf %gather3A_562, %gather3A_563 : vector<16xf32>
        %add3A_565 = arith.addf %add3A_533, %mul3A_564 : vector<16xf32>
        %mul3A_566 = arith.constant 8 : i32
        %mul3A_567 = arith.muli %scan3A_339, %mul3A_566 : i32
        %add3A_568 = arith.constant 7 : i32
        %add3A_569 = arith.addi %mul3A_567, %add3A_568 : i32
        %get3A_570 = arith.index_cast %add3A_569 : i32 to index
        %get3A_571 = arith.constant 0 : index
        %get3A_572 = tpu.vector_load %arg16[%get3A_570, %get3A_571] {strides = array<i32>} : memref<128x16xi32, #tpu.memory_space<vmem>>, vector<16xi32>,
        %gather3A_573 = tpu.vector_load_idx %arg10[%broadcast_in_dim3A_14, %get3A_572] : memref<64x128xf32, #tpu.memory_space<vmem>>[vector<16xi32>, vector<16xi32>], vector<16xf32>,
        %gather3A_574 = tpu.vector_load_idx %arg11[%broadcast_in_dim3A_14, %get3A_572] : memref<64x128xf32, #tpu.memory_space<vmem>>[vector<16xi32>, vector<16xi32>], vector<16xf32>,
        %mul3A_575 = arith.mulf %gather3A_573, %gather3A_574 : vector<16xf32>
        %add3A_576 = arith.addf %add3A_544, %mul3A_575 : vector<16xf32>
        %add3A_577 = arith.constant 2048 : i32
        %add3A_578 = vector.broadcast %add3A_577 : i32 to vector<16xi32>
        %add3A_579 = arith.addi %get3A_572, %add3A_578 : vector<16xi32>
        %gather3A_580 = tpu.vector_load_idx %arg10[%broadcast_in_dim3A_14, %add3A_579] : memref<64x128xf32, #tpu.memory_space<vmem>>[vector<16xi32>, vector<16xi32>], vector<16xf32>,
        %gather3A_581 = tpu.vector_load_idx %arg11[%broadcast_in_dim3A_14, %add3A_579] : memref<64x128xf32, #tpu.memory_space<vmem>>[vector<16xi32>, vector<16xi32>], vector<16xf32>,
        %mul3A_582 = arith.mulf %gather3A_580, %gather3A_581 : vector<16xf32>
        %add3A_583 = arith.addf %add3A_551, %mul3A_582 : vector<16xf32>
        %add3A_584 = arith.constant 4096 : i32
        %add3A_585 = vector.broadcast %add3A_584 : i32 to vector<16xi32>
        %add3A_586 = arith.addi %get3A_572, %add3A_585 : vector<16xi32>
        %gather3A_587 = tpu.vector_load_idx %arg10[%broadcast_in_dim3A_14, %add3A_586] : memref<64x128xf32, #tpu.memory_space<vmem>>[vector<16xi32>, vector<16xi32>], vector<16xf32>,
        %gather3A_588 = tpu.vector_load_idx %arg11[%broadcast_in_dim3A_14, %add3A_586] : memref<64x128xf32, #tpu.memory_space<vmem>>[vector<16xi32>, vector<16xi32>], vector<16xf32>,
        %mul3A_589 = arith.mulf %gather3A_587, %gather3A_588 : vector<16xf32>
        %add3A_590 = arith.addf %add3A_558, %mul3A_589 : vector<16xf32>
        %add3A_591 = arith.constant 6144 : i32
        %add3A_592 = vector.broadcast %add3A_591 : i32 to vector<16xi32>
        %add3A_593 = arith.addi %get3A_572, %add3A_592 : vector<16xi32>
        %gather3A_594 = tpu.vector_load_idx %arg10[%broadcast_in_dim3A_14, %add3A_593] : memref<64x128xf32, #tpu.memory_space<vmem>>[vector<16xi32>, vector<16xi32>], vector<16xf32>,
        %gather3A_595 = tpu.vector_load_idx %arg11[%broadcast_in_dim3A_14, %add3A_593] : memref<64x128xf32, #tpu.memory_space<vmem>>[vector<16xi32>, vector<16xi32>], vector<16xf32>,
        %mul3A_596 = arith.mulf %gather3A_594, %gather3A_595 : vector<16xf32>
        %add3A_597 = arith.addf %add3A_565, %mul3A_596 : vector<16xf32>
        scf.yield %add3A_576, %add3A_583, %add3A_590, %add3A_597 : vector<16xf32>, vector<16xf32>, vector<16xf32>, vector<16xf32>
      }
      %scan3A_191 = arith.constant 16 : i32
      %neg3A_192 = arith.constant 0.000000e+00 : f32
      %neg3A_193 = vector.broadcast %neg3A_192 : f32 to vector<16xf32>
      %neg3A_194 = arith.subf %neg3A_193, %scan3A_190#0 : vector<16xf32>
      %exp3A_195 = math.exp %neg3A_194 : vector<16xf32>
      %add3A_196 = arith.constant 1.000000e+00 : f32
      %add3A_197 = vector.broadcast %add3A_196 : f32 to vector<16xf32>
      %add3A_198 = arith.addf %add3A_197, %exp3A_195 : vector<16xf32>
      %div3A_199 = arith.constant 1.000000e+00 : f32
      %div3A_200 = vector.broadcast %div3A_199 : f32 to vector<16xf32>
      %div3A_201 = arith.divf %div3A_200, %add3A_198 : vector<16xf32>
      %swap3A_202 = arith.constant 0 : index
      %swap3A_203 = tpu.vector_load %arg14[%swap3A_202] {strides = array<i32>} : memref<64xf32, #tpu.memory_space<vmem>>, vector<16xf32>,
      tpu.vector_store %arg14[%swap3A_202], %div3A_201 {strides = array<i32>} : memref<64xf32, #tpu.memory_space<vmem>>, vector<16xf32>,
      %neg3A_204 = arith.constant 0.000000e+00 : f32
      %neg3A_205 = vector.broadcast %neg3A_204 : f32 to vector<16xf32>
      %neg3A_206 = arith.subf %neg3A_205, %scan3A_190#1 : vector<16xf32>
      %exp3A_207 = math.exp %neg3A_206 : vector<16xf32>
      %add3A_208 = arith.constant 1.000000e+00 : f32
      %add3A_209 = vector.broadcast %add3A_208 : f32 to vector<16xf32>
      %add3A_210 = arith.addf %add3A_209, %exp3A_207 : vector<16xf32>
      %div3A_211 = arith.constant 1.000000e+00 : f32
      %div3A_212 = vector.broadcast %div3A_211 : f32 to vector<16xf32>
      %div3A_213 = arith.divf %div3A_212, %add3A_210 : vector<16xf32>
      %swap3A_214 = arith.constant 16 : index
      %swap3A_215 = tpu.vector_load %arg14[%swap3A_214] {strides = array<i32>} : memref<64xf32, #tpu.memory_space<vmem>>, vector<16xf32>,
      tpu.vector_store %arg14[%swap3A_214], %div3A_213 {strides = array<i32>} : memref<64xf32, #tpu.memory_space<vmem>>, vector<16xf32>,
      %neg3A_216 = arith.constant 0.000000e+00 : f32
      %neg3A_217 = vector.broadcast %neg3A_216 : f32 to vector<16xf32>
      %neg3A_218 = arith.subf %neg3A_217, %scan3A_190#2 : vector<16xf32>
      %exp3A_219 = math.exp %neg3A_218 : vector<16xf32>
      %add3A_220 = arith.constant 1.000000e+00 : f32
      %add3A_221 = vector.broadcast %add3A_220 : f32 to vector<16xf32>
      %add3A_222 = arith.addf %add3A_221, %exp3A_219 : vector<16xf32>
      %div3A_223 = arith.constant 1.000000e+00 : f32
      %div3A_224 = vector.broadcast %div3A_223 : f32 to vector<16xf32>
      %div3A_225 = arith.divf %div3A_224, %add3A_222 : vector<16xf32>
      %swap3A_226 = arith.constant 32 : index
      %swap3A_227 = tpu.vector_load %arg14[%swap3A_226] {strides = array<i32>} : memref<64xf32, #tpu.memory_space<vmem>>, vector<16xf32>,
      tpu.vector_store %arg14[%swap3A_226], %div3A_225 {strides = array<i32>} : memref<64xf32, #tpu.memory_space<vmem>>, vector<16xf32>,
      %neg3A_228 = arith.constant 0.000000e+00 : f32
      %neg3A_229 = vector.broadcast %neg3A_228 : f32 to vector<16xf32>
      %neg3A_230 = arith.subf %neg3A_229, %scan3A_190#3 : vector<16xf32>
      %exp3A_231 = math.exp %neg3A_230 : vector<16xf32>
      %add3A_232 = arith.constant 1.000000e+00 : f32
      %add3A_233 = vector.broadcast %add3A_232 : f32 to vector<16xf32>
      %add3A_234 = arith.addf %add3A_233, %exp3A_231 : vector<16xf32>
      %div3A_235 = arith.constant 1.000000e+00 : f32
      %div3A_236 = vector.broadcast %div3A_235 : f32 to vector<16xf32>
      %div3A_237 = arith.divf %div3A_236, %add3A_234 : vector<16xf32>
      %swap3A_238 = arith.constant 48 : index
      %swap3A_239 = tpu.vector_load %arg14[%swap3A_238] {strides = array<i32>} : memref<64xf32, #tpu.memory_space<vmem>>, vector<16xf32>,
      tpu.vector_store %arg14[%swap3A_238], %div3A_237 {strides = array<i32>} : memref<64xf32, #tpu.memory_space<vmem>>, vector<16xf32>,
      %mul3A_240 = arith.constant 64 : i32
      %mul3A_241 = arith.muli %mul3A_151, %mul3A_240 : i32
      %add3A_242 = arith.addi %mul3A_2, %mul3A_241 : i32
      %dma_start3A_243 = arith.constant 0 : i32
      %dma_start3A_244 = tpu.memref_slice %arg14[%dma_start3A_243] : memref<64xf32, #tpu.memory_space<vmem>> -> memref<64xf32, #tpu.memory_space<vmem>>
      %dma_start3A_245 = tpu.memref_slice %arg5[%add3A_242] : memref<320000xf32, #tpu.memory_space<hbm>> -> memref<64xf32, #tpu.memory_space<hbm>>
      %dma_start3A_246 = tpu.memref_slice %arg5[%add3A_242] : memref<320000xf32, #tpu.memory_space<hbm>> -> memref<64xf32, #tpu.memory_space<hbm>>
      %dma_start3A_247 = arith.constant 0 : i32
      %dma_start3A_248 = tpu.memref_slice %arg14[%dma_start3A_247] : memref<64xf32, #tpu.memory_space<vmem>> -> memref<64xf32, #tpu.memory_space<vmem>>
      tpu.enqueue_dma source(%dma_start3A_248 : memref<64xf32, #tpu.memory_space<vmem>>) target(%dma_start3A_246 : memref<64xf32, #tpu.memory_space<hbm>>) target_semaphore(%arg22 : memref<!tpu.dma_semaphore, #tpu.memory_space<semaphore_mem>>)
      %add3A_249 = arith.constant 2 : i32
      %add3A_250 = arith.addi %mul3A_151, %add3A_249 : i32
      %lt3A_251 = arith.constant 156 : i32
      %lt3A_252 = arith.cmpi slt, %add3A_250, %lt3A_251 : i32
      %convert_element_type3A_253 = arith.extui %lt3A_252 : i1 to i32
      %cond3A_254 = arith.constant 0 : i32
      %cond3A_255 = arith.cmpi ne, %convert_element_type3A_253, %cond3A_254 : i32
      scf.if %cond3A_255 {
        %dma_wait3A_339 = arith.constant 0 : i32
        %dma_wait3A_340 = tpu.memref_slice %arg3[%dma_wait3A_339] : memref<320000xi32, #tpu.memory_space<hbm>> -> memref<64xi32, #tpu.memory_space<hbm>>
        %dma_wait3A_341 = arith.constant 0 : i32
        %dma_wait3A_342 = tpu.memref_slice %arg3[%dma_wait3A_341] : memref<320000xi32, #tpu.memory_space<hbm>> -> memref<64xi32, #tpu.memory_space<hbm>>
        tpu.wait_dma2 semaphore(%arg20 : memref<!tpu.dma_semaphore, #tpu.memory_space<semaphore_mem>>) src(%dma_wait3A_342 : memref<64xi32, #tpu.memory_space<hbm>>) dst(%arg6 : memref<64xi32, #tpu.memory_space<vmem>>)
        %dma_wait3A_343 = arith.constant 0 : i32
        %dma_wait3A_344 = tpu.memref_slice %arg4[%dma_wait3A_343] : memref<320000xi32, #tpu.memory_space<hbm>> -> memref<64xi32, #tpu.memory_space<hbm>>
        %dma_wait3A_345 = arith.constant 0 : i32
        %dma_wait3A_346 = tpu.memref_slice %arg4[%dma_wait3A_345] : memref<320000xi32, #tpu.memory_space<hbm>> -> memref<64xi32, #tpu.memory_space<hbm>>
        tpu.wait_dma2 semaphore(%arg20 : memref<!tpu.dma_semaphore, #tpu.memory_space<semaphore_mem>>) src(%dma_wait3A_346 : memref<64xi32, #tpu.memory_space<hbm>>) dst(%arg7 : memref<64xi32, #tpu.memory_space<vmem>>)
        %dma_start3A_347 = arith.constant 0 : i32
        %dma_start3A_348 = arith.constant 0 : i32
        %dma_start3A_349 = tpu.memref_slice %arg17[%dma_start3A_347, %dma_start3A_348] : memref<10000x128xf32, #tpu.memory_space<vmem_shared>> -> memref<10000x128xf32, #tpu.memory_space<vmem_shared>>
        tpu.enqueue_indirect_dma source(%dma_start3A_349 : memref<10000x128xf32, #tpu.memory_space<vmem_shared>>) target(%arg10 : memref<64x128xf32, #tpu.memory_space<vmem>>) offsets(%arg6 : memref<64xi32, #tpu.memory_space<vmem>>) semaphore(%arg18 : memref<!tpu.dma_semaphore, #tpu.memory_space<semaphore_mem>>)
        %dma_start3A_350 = arith.constant 0 : i32
        %dma_start3A_351 = arith.constant 0 : i32
        %dma_start3A_352 = tpu.memref_slice %arg17[%dma_start3A_350, %dma_start3A_351] : memref<10000x128xf32, #tpu.memory_space<vmem_shared>> -> memref<10000x128xf32, #tpu.memory_space<vmem_shared>>
        tpu.enqueue_indirect_dma source(%dma_start3A_352 : memref<10000x128xf32, #tpu.memory_space<vmem_shared>>) target(%arg11 : memref<64x128xf32, #tpu.memory_space<vmem>>) offsets(%arg7 : memref<64xi32, #tpu.memory_space<vmem>>) semaphore(%arg18 : memref<!tpu.dma_semaphore, #tpu.memory_space<semaphore_mem>>)
      } else {
      }
      %dma_wait3A_256 = arith.constant 0 : i32
      %dma_wait3A_257 = arith.constant 0 : i32
      %dma_wait3A_258 = tpu.memref_slice %arg17[%dma_wait3A_256, %dma_wait3A_257] : memref<10000x128xf32, #tpu.memory_space<vmem_shared>> -> memref<10000x128xf32, #tpu.memory_space<vmem_shared>>
      tpu.wait_indirect_dma semaphore(%arg19 : memref<!tpu.dma_semaphore, #tpu.memory_space<semaphore_mem>>) src(%dma_wait3A_258 : memref<10000x128xf32, #tpu.memory_space<vmem_shared>>) dst(%arg12 : memref<64x128xf32, #tpu.memory_space<vmem>>)
      %dma_wait3A_259 = arith.constant 0 : i32
      %dma_wait3A_260 = arith.constant 0 : i32
      %dma_wait3A_261 = tpu.memref_slice %arg17[%dma_wait3A_259, %dma_wait3A_260] : memref<10000x128xf32, #tpu.memory_space<vmem_shared>> -> memref<10000x128xf32, #tpu.memory_space<vmem_shared>>
      tpu.wait_indirect_dma semaphore(%arg19 : memref<!tpu.dma_semaphore, #tpu.memory_space<semaphore_mem>>) src(%dma_wait3A_261 : memref<10000x128xf32, #tpu.memory_space<vmem_shared>>) dst(%arg13 : memref<64x128xf32, #tpu.memory_space<vmem>>)
      %add3A_262 = arith.constant 2 : i32
      %add3A_263 = arith.addi %add3A_155, %add3A_262 : i32
      %lt3A_264 = arith.constant 156 : i32
      %lt3A_265 = arith.cmpi slt, %add3A_263, %lt3A_264 : i32
      %convert_element_type3A_266 = arith.extui %lt3A_265 : i1 to i32
      %cond3A_267 = arith.constant 0 : i32
      %cond3A_268 = arith.cmpi ne, %convert_element_type3A_266, %cond3A_267 : i32
      scf.if %cond3A_268 {
        %add3A_339 = arith.constant 2 : i32
        %add3A_340 = arith.addi %add3A_155, %add3A_339 : i32
        %mul3A_341 = arith.constant 64 : i32
        %mul3A_342 = arith.muli %add3A_340, %mul3A_341 : i32
        %add3A_343 = arith.addi %mul3A_2, %mul3A_342 : i32
        %dma_start3A_344 = tpu.memref_slice %arg3[%add3A_343] : memref<320000xi32, #tpu.memory_space<hbm>> -> memref<64xi32, #tpu.memory_space<hbm>>
        %dma_start3A_345 = tpu.memref_slice %arg3[%add3A_343] : memref<320000xi32, #tpu.memory_space<hbm>> -> memref<64xi32, #tpu.memory_space<hbm>>
        tpu.enqueue_dma source(%dma_start3A_345 : memref<64xi32, #tpu.memory_space<hbm>>) target(%arg8 : memref<64xi32, #tpu.memory_space<vmem>>) target_semaphore(%arg21 : memref<!tpu.dma_semaphore, #tpu.memory_space<semaphore_mem>>)
        %mul3A_346 = arith.constant 64 : i32
        %mul3A_347 = arith.muli %add3A_340, %mul3A_346 : i32
        %add3A_348 = arith.addi %mul3A_2, %mul3A_347 : i32
        %dma_start3A_349 = tpu.memref_slice %arg4[%add3A_348] : memref<320000xi32, #tpu.memory_space<hbm>> -> memref<64xi32, #tpu.memory_space<hbm>>
        %dma_start3A_350 = tpu.memref_slice %arg4[%add3A_348] : memref<320000xi32, #tpu.memory_space<hbm>> -> memref<64xi32, #tpu.memory_space<hbm>>
        tpu.enqueue_dma source(%dma_start3A_350 : memref<64xi32, #tpu.memory_space<hbm>>) target(%arg9 : memref<64xi32, #tpu.memory_space<vmem>>) target_semaphore(%arg21 : memref<!tpu.dma_semaphore, #tpu.memory_space<semaphore_mem>>)
      } else {
      }
      %gt3A_269 = arith.constant 0 : i32
      %gt3A_270 = arith.cmpi sgt, %scan3A_149, %gt3A_269 : i32
      %convert_element_type3A_271 = arith.extui %gt3A_270 : i1 to i32
      %cond3A_272 = arith.constant 0 : i32
      %cond3A_273 = arith.cmpi ne, %convert_element_type3A_271, %cond3A_272 : i32
      scf.if %cond3A_273 {
        %dma_wait3A_339 = arith.constant 0 : i32
        %dma_wait3A_340 = tpu.memref_slice %arg5[%dma_wait3A_339] : memref<320000xf32, #tpu.memory_space<hbm>> -> memref<64xf32, #tpu.memory_space<hbm>>
        %dma_wait3A_341 = arith.constant 0 : i32
        %dma_wait3A_342 = tpu.memref_slice %arg5[%dma_wait3A_341] : memref<320000xf32, #tpu.memory_space<hbm>> -> memref<64xf32, #tpu.memory_space<hbm>>
        tpu.wait_dma2 semaphore(%arg23 : memref<!tpu.dma_semaphore, #tpu.memory_space<semaphore_mem>>) src(%arg15 : memref<64xf32, #tpu.memory_space<vmem>>) dst(%dma_wait3A_342 : memref<64xf32, #tpu.memory_space<hbm>>)
      } else {
      }
      %broadcast_in_dim3A_274 = arith.constant 0.000000e+00 : f32
      %broadcast_in_dim3A_275 = vector.broadcast %broadcast_in_dim3A_274 : f32 to vector<16xf32>
      %scan3A_276 = arith.constant 0 : i32
      %scan3A_277 = arith.constant 16 : i32
      %scan3A_278 = arith.addi %scan3A_276, %scan3A_277 : i32
      %scan3A_279 = arith.constant 1 : i32
      %scan3A_280:4 = scf.for %scan3A_339 = %scan3A_276 to %scan3A_278 step %scan3A_279 iter_args(%scan3A_340 = %broadcast_in_dim3A_275, %scan3A_341 = %broadcast_in_dim3A_275, %scan3A_342 = %broadcast_in_dim3A_275, %scan3A_343 = %broadcast_in_dim3A_275) -> (vector<16xf32>, vector<16xf32>, vector<16xf32>, vector<16xf32>)  : i32 {
        %mul3A_344 = arith.constant 8 : i32
        %mul3A_345 = arith.muli %scan3A_339, %mul3A_344 : i32
        %add3A_346 = arith.constant 0 : i32
        %add3A_347 = arith.addi %mul3A_345, %add3A_346 : i32
        %get3A = arith.index_cast %add3A_347 : i32 to index
        %get3A_348 = arith.constant 0 : index
        %get3A_349 = tpu.vector_load %arg16[%get3A, %get3A_348] {strides = array<i32>} : memref<128x16xi32, #tpu.memory_space<vmem>>, vector<16xi32>,
        %gather3A = tpu.vector_load_idx %arg12[%broadcast_in_dim3A_14, %get3A_349] : memref<64x128xf32, #tpu.memory_space<vmem>>[vector<16xi32>, vector<16xi32>], vector<16xf32>,
        %gather3A_350 = tpu.vector_load_idx %arg13[%broadcast_in_dim3A_14, %get3A_349] : memref<64x128xf32, #tpu.memory_space<vmem>>[vector<16xi32>, vector<16xi32>], vector<16xf32>,
        %mul3A_351 = arith.mulf %gather3A, %gather3A_350 : vector<16xf32>
        %add3A_352 = arith.addf %scan3A_340, %mul3A_351 : vector<16xf32>
        %add3A_353 = arith.constant 2048 : i32
        %add3A_354 = vector.broadcast %add3A_353 : i32 to vector<16xi32>
        %add3A_355 = arith.addi %get3A_349, %add3A_354 : vector<16xi32>
        %gather3A_356 = tpu.vector_load_idx %arg12[%broadcast_in_dim3A_14, %add3A_355] : memref<64x128xf32, #tpu.memory_space<vmem>>[vector<16xi32>, vector<16xi32>], vector<16xf32>,
        %gather3A_357 = tpu.vector_load_idx %arg13[%broadcast_in_dim3A_14, %add3A_355] : memref<64x128xf32, #tpu.memory_space<vmem>>[vector<16xi32>, vector<16xi32>], vector<16xf32>,
        %mul3A_358 = arith.mulf %gather3A_356, %gather3A_357 : vector<16xf32>
        %add3A_359 = arith.addf %scan3A_341, %mul3A_358 : vector<16xf32>
        %add3A_360 = arith.constant 4096 : i32
        %add3A_361 = vector.broadcast %add3A_360 : i32 to vector<16xi32>
        %add3A_362 = arith.addi %get3A_349, %add3A_361 : vector<16xi32>
        %gather3A_363 = tpu.vector_load_idx %arg12[%broadcast_in_dim3A_14, %add3A_362] : memref<64x128xf32, #tpu.memory_space<vmem>>[vector<16xi32>, vector<16xi32>], vector<16xf32>,
        %gather3A_364 = tpu.vector_load_idx %arg13[%broadcast_in_dim3A_14, %add3A_362] : memref<64x128xf32, #tpu.memory_space<vmem>>[vector<16xi32>, vector<16xi32>], vector<16xf32>,
        %mul3A_365 = arith.mulf %gather3A_363, %gather3A_364 : vector<16xf32>
        %add3A_366 = arith.addf %scan3A_342, %mul3A_365 : vector<16xf32>
        %add3A_367 = arith.constant 6144 : i32
        %add3A_368 = vector.broadcast %add3A_367 : i32 to vector<16xi32>
        %add3A_369 = arith.addi %get3A_349, %add3A_368 : vector<16xi32>
        %gather3A_370 = tpu.vector_load_idx %arg12[%broadcast_in_dim3A_14, %add3A_369] : memref<64x128xf32, #tpu.memory_space<vmem>>[vector<16xi32>, vector<16xi32>], vector<16xf32>,
        %gather3A_371 = tpu.vector_load_idx %arg13[%broadcast_in_dim3A_14, %add3A_369] : memref<64x128xf32, #tpu.memory_space<vmem>>[vector<16xi32>, vector<16xi32>], vector<16xf32>,
        %mul3A_372 = arith.mulf %gather3A_370, %gather3A_371 : vector<16xf32>
        %add3A_373 = arith.addf %scan3A_343, %mul3A_372 : vector<16xf32>
        %mul3A_374 = arith.constant 8 : i32
        %mul3A_375 = arith.muli %scan3A_339, %mul3A_374 : i32
        %add3A_376 = arith.constant 1 : i32
        %add3A_377 = arith.addi %mul3A_375, %add3A_376 : i32
        %get3A_378 = arith.index_cast %add3A_377 : i32 to index
        %get3A_379 = arith.constant 0 : index
        %get3A_380 = tpu.vector_load %arg16[%get3A_378, %get3A_379] {strides = array<i32>} : memref<128x16xi32, #tpu.memory_space<vmem>>, vector<16xi32>,
        %gather3A_381 = tpu.vector_load_idx %arg12[%broadcast_in_dim3A_14, %get3A_380] : memref<64x128xf32, #tpu.memory_space<vmem>>[vector<16xi32>, vector<16xi32>], vector<16xf32>,
        %gather3A_382 = tpu.vector_load_idx %arg13[%broadcast_in_dim3A_14, %get3A_380] : memref<64x128xf32, #tpu.memory_space<vmem>>[vector<16xi32>, vector<16xi32>], vector<16xf32>,
        %mul3A_383 = arith.mulf %gather3A_381, %gather3A_382 : vector<16xf32>
        %add3A_384 = arith.addf %add3A_352, %mul3A_383 : vector<16xf32>
        %add3A_385 = arith.constant 2048 : i32
        %add3A_386 = vector.broadcast %add3A_385 : i32 to vector<16xi32>
        %add3A_387 = arith.addi %get3A_380, %add3A_386 : vector<16xi32>
        %gather3A_388 = tpu.vector_load_idx %arg12[%broadcast_in_dim3A_14, %add3A_387] : memref<64x128xf32, #tpu.memory_space<vmem>>[vector<16xi32>, vector<16xi32>], vector<16xf32>,
        %gather3A_389 = tpu.vector_load_idx %arg13[%broadcast_in_dim3A_14, %add3A_387] : memref<64x128xf32, #tpu.memory_space<vmem>>[vector<16xi32>, vector<16xi32>], vector<16xf32>,
        %mul3A_390 = arith.mulf %gather3A_388, %gather3A_389 : vector<16xf32>
        %add3A_391 = arith.addf %add3A_359, %mul3A_390 : vector<16xf32>
        %add3A_392 = arith.constant 4096 : i32
        %add3A_393 = vector.broadcast %add3A_392 : i32 to vector<16xi32>
        %add3A_394 = arith.addi %get3A_380, %add3A_393 : vector<16xi32>
        %gather3A_395 = tpu.vector_load_idx %arg12[%broadcast_in_dim3A_14, %add3A_394] : memref<64x128xf32, #tpu.memory_space<vmem>>[vector<16xi32>, vector<16xi32>], vector<16xf32>,
        %gather3A_396 = tpu.vector_load_idx %arg13[%broadcast_in_dim3A_14, %add3A_394] : memref<64x128xf32, #tpu.memory_space<vmem>>[vector<16xi32>, vector<16xi32>], vector<16xf32>,
        %mul3A_397 = arith.mulf %gather3A_395, %gather3A_396 : vector<16xf32>
        %add3A_398 = arith.addf %add3A_366, %mul3A_397 : vector<16xf32>
        %add3A_399 = arith.constant 6144 : i32
        %add3A_400 = vector.broadcast %add3A_399 : i32 to vector<16xi32>
        %add3A_401 = arith.addi %get3A_380, %add3A_400 : vector<16xi32>
        %gather3A_402 = tpu.vector_load_idx %arg12[%broadcast_in_dim3A_14, %add3A_401] : memref<64x128xf32, #tpu.memory_space<vmem>>[vector<16xi32>, vector<16xi32>], vector<16xf32>,
        %gather3A_403 = tpu.vector_load_idx %arg13[%broadcast_in_dim3A_14, %add3A_401] : memref<64x128xf32, #tpu.memory_space<vmem>>[vector<16xi32>, vector<16xi32>], vector<16xf32>,
        %mul3A_404 = arith.mulf %gather3A_402, %gather3A_403 : vector<16xf32>
        %add3A_405 = arith.addf %add3A_373, %mul3A_404 : vector<16xf32>
        %mul3A_406 = arith.constant 8 : i32
        %mul3A_407 = arith.muli %scan3A_339, %mul3A_406 : i32
        %add3A_408 = arith.constant 2 : i32
        %add3A_409 = arith.addi %mul3A_407, %add3A_408 : i32
        %get3A_410 = arith.index_cast %add3A_409 : i32 to index
        %get3A_411 = arith.constant 0 : index
        %get3A_412 = tpu.vector_load %arg16[%get3A_410, %get3A_411] {strides = array<i32>} : memref<128x16xi32, #tpu.memory_space<vmem>>, vector<16xi32>,
        %gather3A_413 = tpu.vector_load_idx %arg12[%broadcast_in_dim3A_14, %get3A_412] : memref<64x128xf32, #tpu.memory_space<vmem>>[vector<16xi32>, vector<16xi32>], vector<16xf32>,
        %gather3A_414 = tpu.vector_load_idx %arg13[%broadcast_in_dim3A_14, %get3A_412] : memref<64x128xf32, #tpu.memory_space<vmem>>[vector<16xi32>, vector<16xi32>], vector<16xf32>,
        %mul3A_415 = arith.mulf %gather3A_413, %gather3A_414 : vector<16xf32>
        %add3A_416 = arith.addf %add3A_384, %mul3A_415 : vector<16xf32>
        %add3A_417 = arith.constant 2048 : i32
        %add3A_418 = vector.broadcast %add3A_417 : i32 to vector<16xi32>
        %add3A_419 = arith.addi %get3A_412, %add3A_418 : vector<16xi32>
        %gather3A_420 = tpu.vector_load_idx %arg12[%broadcast_in_dim3A_14, %add3A_419] : memref<64x128xf32, #tpu.memory_space<vmem>>[vector<16xi32>, vector<16xi32>], vector<16xf32>,
        %gather3A_421 = tpu.vector_load_idx %arg13[%broadcast_in_dim3A_14, %add3A_419] : memref<64x128xf32, #tpu.memory_space<vmem>>[vector<16xi32>, vector<16xi32>], vector<16xf32>,
        %mul3A_422 = arith.mulf %gather3A_420, %gather3A_421 : vector<16xf32>
        %add3A_423 = arith.addf %add3A_391, %mul3A_422 : vector<16xf32>
        %add3A_424 = arith.constant 4096 : i32
        %add3A_425 = vector.broadcast %add3A_424 : i32 to vector<16xi32>
        %add3A_426 = arith.addi %get3A_412, %add3A_425 : vector<16xi32>
        %gather3A_427 = tpu.vector_load_idx %arg12[%broadcast_in_dim3A_14, %add3A_426] : memref<64x128xf32, #tpu.memory_space<vmem>>[vector<16xi32>, vector<16xi32>], vector<16xf32>,
        %gather3A_428 = tpu.vector_load_idx %arg13[%broadcast_in_dim3A_14, %add3A_426] : memref<64x128xf32, #tpu.memory_space<vmem>>[vector<16xi32>, vector<16xi32>], vector<16xf32>,
        %mul3A_429 = arith.mulf %gather3A_427, %gather3A_428 : vector<16xf32>
        %add3A_430 = arith.addf %add3A_398, %mul3A_429 : vector<16xf32>
        %add3A_431 = arith.constant 6144 : i32
        %add3A_432 = vector.broadcast %add3A_431 : i32 to vector<16xi32>
        %add3A_433 = arith.addi %get3A_412, %add3A_432 : vector<16xi32>
        %gather3A_434 = tpu.vector_load_idx %arg12[%broadcast_in_dim3A_14, %add3A_433] : memref<64x128xf32, #tpu.memory_space<vmem>>[vector<16xi32>, vector<16xi32>], vector<16xf32>,
        %gather3A_435 = tpu.vector_load_idx %arg13[%broadcast_in_dim3A_14, %add3A_433] : memref<64x128xf32, #tpu.memory_space<vmem>>[vector<16xi32>, vector<16xi32>], vector<16xf32>,
        %mul3A_436 = arith.mulf %gather3A_434, %gather3A_435 : vector<16xf32>
        %add3A_437 = arith.addf %add3A_405, %mul3A_436 : vector<16xf32>
        %mul3A_438 = arith.constant 8 : i32
        %mul3A_439 = arith.muli %scan3A_339, %mul3A_438 : i32
        %add3A_440 = arith.constant 3 : i32
        %add3A_441 = arith.addi %mul3A_439, %add3A_440 : i32
        %get3A_442 = arith.index_cast %add3A_441 : i32 to index
        %get3A_443 = arith.constant 0 : index
        %get3A_444 = tpu.vector_load %arg16[%get3A_442, %get3A_443] {strides = array<i32>} : memref<128x16xi32, #tpu.memory_space<vmem>>, vector<16xi32>,
        %gather3A_445 = tpu.vector_load_idx %arg12[%broadcast_in_dim3A_14, %get3A_444] : memref<64x128xf32, #tpu.memory_space<vmem>>[vector<16xi32>, vector<16xi32>], vector<16xf32>,
        %gather3A_446 = tpu.vector_load_idx %arg13[%broadcast_in_dim3A_14, %get3A_444] : memref<64x128xf32, #tpu.memory_space<vmem>>[vector<16xi32>, vector<16xi32>], vector<16xf32>,
        %mul3A_447 = arith.mulf %gather3A_445, %gather3A_446 : vector<16xf32>
        %add3A_448 = arith.addf %add3A_416, %mul3A_447 : vector<16xf32>
        %add3A_449 = arith.constant 2048 : i32
        %add3A_450 = vector.broadcast %add3A_449 : i32 to vector<16xi32>
        %add3A_451 = arith.addi %get3A_444, %add3A_450 : vector<16xi32>
        %gather3A_452 = tpu.vector_load_idx %arg12[%broadcast_in_dim3A_14, %add3A_451] : memref<64x128xf32, #tpu.memory_space<vmem>>[vector<16xi32>, vector<16xi32>], vector<16xf32>,
        %gather3A_453 = tpu.vector_load_idx %arg13[%broadcast_in_dim3A_14, %add3A_451] : memref<64x128xf32, #tpu.memory_space<vmem>>[vector<16xi32>, vector<16xi32>], vector<16xf32>,
        %mul3A_454 = arith.mulf %gather3A_452, %gather3A_453 : vector<16xf32>
        %add3A_455 = arith.addf %add3A_423, %mul3A_454 : vector<16xf32>
        %add3A_456 = arith.constant 4096 : i32
        %add3A_457 = vector.broadcast %add3A_456 : i32 to vector<16xi32>
        %add3A_458 = arith.addi %get3A_444, %add3A_457 : vector<16xi32>
        %gather3A_459 = tpu.vector_load_idx %arg12[%broadcast_in_dim3A_14, %add3A_458] : memref<64x128xf32, #tpu.memory_space<vmem>>[vector<16xi32>, vector<16xi32>], vector<16xf32>,
        %gather3A_460 = tpu.vector_load_idx %arg13[%broadcast_in_dim3A_14, %add3A_458] : memref<64x128xf32, #tpu.memory_space<vmem>>[vector<16xi32>, vector<16xi32>], vector<16xf32>,
        %mul3A_461 = arith.mulf %gather3A_459, %gather3A_460 : vector<16xf32>
        %add3A_462 = arith.addf %add3A_430, %mul3A_461 : vector<16xf32>
        %add3A_463 = arith.constant 6144 : i32
        %add3A_464 = vector.broadcast %add3A_463 : i32 to vector<16xi32>
        %add3A_465 = arith.addi %get3A_444, %add3A_464 : vector<16xi32>
        %gather3A_466 = tpu.vector_load_idx %arg12[%broadcast_in_dim3A_14, %add3A_465] : memref<64x128xf32, #tpu.memory_space<vmem>>[vector<16xi32>, vector<16xi32>], vector<16xf32>,
        %gather3A_467 = tpu.vector_load_idx %arg13[%broadcast_in_dim3A_14, %add3A_465] : memref<64x128xf32, #tpu.memory_space<vmem>>[vector<16xi32>, vector<16xi32>], vector<16xf32>,
        %mul3A_468 = arith.mulf %gather3A_466, %gather3A_467 : vector<16xf32>
        %add3A_469 = arith.addf %add3A_437, %mul3A_468 : vector<16xf32>
        %mul3A_470 = arith.constant 8 : i32
        %mul3A_471 = arith.muli %scan3A_339, %mul3A_470 : i32
        %add3A_472 = arith.constant 4 : i32
        %add3A_473 = arith.addi %mul3A_471, %add3A_472 : i32
        %get3A_474 = arith.index_cast %add3A_473 : i32 to index
        %get3A_475 = arith.constant 0 : index
        %get3A_476 = tpu.vector_load %arg16[%get3A_474, %get3A_475] {strides = array<i32>} : memref<128x16xi32, #tpu.memory_space<vmem>>, vector<16xi32>,
        %gather3A_477 = tpu.vector_load_idx %arg12[%broadcast_in_dim3A_14, %get3A_476] : memref<64x128xf32, #tpu.memory_space<vmem>>[vector<16xi32>, vector<16xi32>], vector<16xf32>,
        %gather3A_478 = tpu.vector_load_idx %arg13[%broadcast_in_dim3A_14, %get3A_476] : memref<64x128xf32, #tpu.memory_space<vmem>>[vector<16xi32>, vector<16xi32>], vector<16xf32>,
        %mul3A_479 = arith.mulf %gather3A_477, %gather3A_478 : vector<16xf32>
        %add3A_480 = arith.addf %add3A_448, %mul3A_479 : vector<16xf32>
        %add3A_481 = arith.constant 2048 : i32
        %add3A_482 = vector.broadcast %add3A_481 : i32 to vector<16xi32>
        %add3A_483 = arith.addi %get3A_476, %add3A_482 : vector<16xi32>
        %gather3A_484 = tpu.vector_load_idx %arg12[%broadcast_in_dim3A_14, %add3A_483] : memref<64x128xf32, #tpu.memory_space<vmem>>[vector<16xi32>, vector<16xi32>], vector<16xf32>,
        %gather3A_485 = tpu.vector_load_idx %arg13[%broadcast_in_dim3A_14, %add3A_483] : memref<64x128xf32, #tpu.memory_space<vmem>>[vector<16xi32>, vector<16xi32>], vector<16xf32>,
        %mul3A_486 = arith.mulf %gather3A_484, %gather3A_485 : vector<16xf32>
        %add3A_487 = arith.addf %add3A_455, %mul3A_486 : vector<16xf32>
        %add3A_488 = arith.constant 4096 : i32
        %add3A_489 = vector.broadcast %add3A_488 : i32 to vector<16xi32>
        %add3A_490 = arith.addi %get3A_476, %add3A_489 : vector<16xi32>
        %gather3A_491 = tpu.vector_load_idx %arg12[%broadcast_in_dim3A_14, %add3A_490] : memref<64x128xf32, #tpu.memory_space<vmem>>[vector<16xi32>, vector<16xi32>], vector<16xf32>,
        %gather3A_492 = tpu.vector_load_idx %arg13[%broadcast_in_dim3A_14, %add3A_490] : memref<64x128xf32, #tpu.memory_space<vmem>>[vector<16xi32>, vector<16xi32>], vector<16xf32>,
        %mul3A_493 = arith.mulf %gather3A_491, %gather3A_492 : vector<16xf32>
        %add3A_494 = arith.addf %add3A_462, %mul3A_493 : vector<16xf32>
        %add3A_495 = arith.constant 6144 : i32
        %add3A_496 = vector.broadcast %add3A_495 : i32 to vector<16xi32>
        %add3A_497 = arith.addi %get3A_476, %add3A_496 : vector<16xi32>
        %gather3A_498 = tpu.vector_load_idx %arg12[%broadcast_in_dim3A_14, %add3A_497] : memref<64x128xf32, #tpu.memory_space<vmem>>[vector<16xi32>, vector<16xi32>], vector<16xf32>,
        %gather3A_499 = tpu.vector_load_idx %arg13[%broadcast_in_dim3A_14, %add3A_497] : memref<64x128xf32, #tpu.memory_space<vmem>>[vector<16xi32>, vector<16xi32>], vector<16xf32>,
        %mul3A_500 = arith.mulf %gather3A_498, %gather3A_499 : vector<16xf32>
        %add3A_501 = arith.addf %add3A_469, %mul3A_500 : vector<16xf32>
        %mul3A_502 = arith.constant 8 : i32
        %mul3A_503 = arith.muli %scan3A_339, %mul3A_502 : i32
        %add3A_504 = arith.constant 5 : i32
        %add3A_505 = arith.addi %mul3A_503, %add3A_504 : i32
        %get3A_506 = arith.index_cast %add3A_505 : i32 to index
        %get3A_507 = arith.constant 0 : index
        %get3A_508 = tpu.vector_load %arg16[%get3A_506, %get3A_507] {strides = array<i32>} : memref<128x16xi32, #tpu.memory_space<vmem>>, vector<16xi32>,
        %gather3A_509 = tpu.vector_load_idx %arg12[%broadcast_in_dim3A_14, %get3A_508] : memref<64x128xf32, #tpu.memory_space<vmem>>[vector<16xi32>, vector<16xi32>], vector<16xf32>,
        %gather3A_510 = tpu.vector_load_idx %arg13[%broadcast_in_dim3A_14, %get3A_508] : memref<64x128xf32, #tpu.memory_space<vmem>>[vector<16xi32>, vector<16xi32>], vector<16xf32>,
        %mul3A_511 = arith.mulf %gather3A_509, %gather3A_510 : vector<16xf32>
        %add3A_512 = arith.addf %add3A_480, %mul3A_511 : vector<16xf32>
        %add3A_513 = arith.constant 2048 : i32
        %add3A_514 = vector.broadcast %add3A_513 : i32 to vector<16xi32>
        %add3A_515 = arith.addi %get3A_508, %add3A_514 : vector<16xi32>
        %gather3A_516 = tpu.vector_load_idx %arg12[%broadcast_in_dim3A_14, %add3A_515] : memref<64x128xf32, #tpu.memory_space<vmem>>[vector<16xi32>, vector<16xi32>], vector<16xf32>,
        %gather3A_517 = tpu.vector_load_idx %arg13[%broadcast_in_dim3A_14, %add3A_515] : memref<64x128xf32, #tpu.memory_space<vmem>>[vector<16xi32>, vector<16xi32>], vector<16xf32>,
        %mul3A_518 = arith.mulf %gather3A_516, %gather3A_517 : vector<16xf32>
        %add3A_519 = arith.addf %add3A_487, %mul3A_518 : vector<16xf32>
        %add3A_520 = arith.constant 4096 : i32
        %add3A_521 = vector.broadcast %add3A_520 : i32 to vector<16xi32>
        %add3A_522 = arith.addi %get3A_508, %add3A_521 : vector<16xi32>
        %gather3A_523 = tpu.vector_load_idx %arg12[%broadcast_in_dim3A_14, %add3A_522] : memref<64x128xf32, #tpu.memory_space<vmem>>[vector<16xi32>, vector<16xi32>], vector<16xf32>,
        %gather3A_524 = tpu.vector_load_idx %arg13[%broadcast_in_dim3A_14, %add3A_522] : memref<64x128xf32, #tpu.memory_space<vmem>>[vector<16xi32>, vector<16xi32>], vector<16xf32>,
        %mul3A_525 = arith.mulf %gather3A_523, %gather3A_524 : vector<16xf32>
        %add3A_526 = arith.addf %add3A_494, %mul3A_525 : vector<16xf32>
        %add3A_527 = arith.constant 6144 : i32
        %add3A_528 = vector.broadcast %add3A_527 : i32 to vector<16xi32>
        %add3A_529 = arith.addi %get3A_508, %add3A_528 : vector<16xi32>
        %gather3A_530 = tpu.vector_load_idx %arg12[%broadcast_in_dim3A_14, %add3A_529] : memref<64x128xf32, #tpu.memory_space<vmem>>[vector<16xi32>, vector<16xi32>], vector<16xf32>,
        %gather3A_531 = tpu.vector_load_idx %arg13[%broadcast_in_dim3A_14, %add3A_529] : memref<64x128xf32, #tpu.memory_space<vmem>>[vector<16xi32>, vector<16xi32>], vector<16xf32>,
        %mul3A_532 = arith.mulf %gather3A_530, %gather3A_531 : vector<16xf32>
        %add3A_533 = arith.addf %add3A_501, %mul3A_532 : vector<16xf32>
        %mul3A_534 = arith.constant 8 : i32
        %mul3A_535 = arith.muli %scan3A_339, %mul3A_534 : i32
        %add3A_536 = arith.constant 6 : i32
        %add3A_537 = arith.addi %mul3A_535, %add3A_536 : i32
        %get3A_538 = arith.index_cast %add3A_537 : i32 to index
        %get3A_539 = arith.constant 0 : index
        %get3A_540 = tpu.vector_load %arg16[%get3A_538, %get3A_539] {strides = array<i32>} : memref<128x16xi32, #tpu.memory_space<vmem>>, vector<16xi32>,
        %gather3A_541 = tpu.vector_load_idx %arg12[%broadcast_in_dim3A_14, %get3A_540] : memref<64x128xf32, #tpu.memory_space<vmem>>[vector<16xi32>, vector<16xi32>], vector<16xf32>,
        %gather3A_542 = tpu.vector_load_idx %arg13[%broadcast_in_dim3A_14, %get3A_540] : memref<64x128xf32, #tpu.memory_space<vmem>>[vector<16xi32>, vector<16xi32>], vector<16xf32>,
        %mul3A_543 = arith.mulf %gather3A_541, %gather3A_542 : vector<16xf32>
        %add3A_544 = arith.addf %add3A_512, %mul3A_543 : vector<16xf32>
        %add3A_545 = arith.constant 2048 : i32
        %add3A_546 = vector.broadcast %add3A_545 : i32 to vector<16xi32>
        %add3A_547 = arith.addi %get3A_540, %add3A_546 : vector<16xi32>
        %gather3A_548 = tpu.vector_load_idx %arg12[%broadcast_in_dim3A_14, %add3A_547] : memref<64x128xf32, #tpu.memory_space<vmem>>[vector<16xi32>, vector<16xi32>], vector<16xf32>,
        %gather3A_549 = tpu.vector_load_idx %arg13[%broadcast_in_dim3A_14, %add3A_547] : memref<64x128xf32, #tpu.memory_space<vmem>>[vector<16xi32>, vector<16xi32>], vector<16xf32>,
        %mul3A_550 = arith.mulf %gather3A_548, %gather3A_549 : vector<16xf32>
        %add3A_551 = arith.addf %add3A_519, %mul3A_550 : vector<16xf32>
        %add3A_552 = arith.constant 4096 : i32
        %add3A_553 = vector.broadcast %add3A_552 : i32 to vector<16xi32>
        %add3A_554 = arith.addi %get3A_540, %add3A_553 : vector<16xi32>
        %gather3A_555 = tpu.vector_load_idx %arg12[%broadcast_in_dim3A_14, %add3A_554] : memref<64x128xf32, #tpu.memory_space<vmem>>[vector<16xi32>, vector<16xi32>], vector<16xf32>,
        %gather3A_556 = tpu.vector_load_idx %arg13[%broadcast_in_dim3A_14, %add3A_554] : memref<64x128xf32, #tpu.memory_space<vmem>>[vector<16xi32>, vector<16xi32>], vector<16xf32>,
        %mul3A_557 = arith.mulf %gather3A_555, %gather3A_556 : vector<16xf32>
        %add3A_558 = arith.addf %add3A_526, %mul3A_557 : vector<16xf32>
        %add3A_559 = arith.constant 6144 : i32
        %add3A_560 = vector.broadcast %add3A_559 : i32 to vector<16xi32>
        %add3A_561 = arith.addi %get3A_540, %add3A_560 : vector<16xi32>
        %gather3A_562 = tpu.vector_load_idx %arg12[%broadcast_in_dim3A_14, %add3A_561] : memref<64x128xf32, #tpu.memory_space<vmem>>[vector<16xi32>, vector<16xi32>], vector<16xf32>,
        %gather3A_563 = tpu.vector_load_idx %arg13[%broadcast_in_dim3A_14, %add3A_561] : memref<64x128xf32, #tpu.memory_space<vmem>>[vector<16xi32>, vector<16xi32>], vector<16xf32>,
        %mul3A_564 = arith.mulf %gather3A_562, %gather3A_563 : vector<16xf32>
        %add3A_565 = arith.addf %add3A_533, %mul3A_564 : vector<16xf32>
        %mul3A_566 = arith.constant 8 : i32
        %mul3A_567 = arith.muli %scan3A_339, %mul3A_566 : i32
        %add3A_568 = arith.constant 7 : i32
        %add3A_569 = arith.addi %mul3A_567, %add3A_568 : i32
        %get3A_570 = arith.index_cast %add3A_569 : i32 to index
        %get3A_571 = arith.constant 0 : index
        %get3A_572 = tpu.vector_load %arg16[%get3A_570, %get3A_571] {strides = array<i32>} : memref<128x16xi32, #tpu.memory_space<vmem>>, vector<16xi32>,
        %gather3A_573 = tpu.vector_load_idx %arg12[%broadcast_in_dim3A_14, %get3A_572] : memref<64x128xf32, #tpu.memory_space<vmem>>[vector<16xi32>, vector<16xi32>], vector<16xf32>,
        %gather3A_574 = tpu.vector_load_idx %arg13[%broadcast_in_dim3A_14, %get3A_572] : memref<64x128xf32, #tpu.memory_space<vmem>>[vector<16xi32>, vector<16xi32>], vector<16xf32>,
        %mul3A_575 = arith.mulf %gather3A_573, %gather3A_574 : vector<16xf32>
        %add3A_576 = arith.addf %add3A_544, %mul3A_575 : vector<16xf32>
        %add3A_577 = arith.constant 2048 : i32
        %add3A_578 = vector.broadcast %add3A_577 : i32 to vector<16xi32>
        %add3A_579 = arith.addi %get3A_572, %add3A_578 : vector<16xi32>
        %gather3A_580 = tpu.vector_load_idx %arg12[%broadcast_in_dim3A_14, %add3A_579] : memref<64x128xf32, #tpu.memory_space<vmem>>[vector<16xi32>, vector<16xi32>], vector<16xf32>,
        %gather3A_581 = tpu.vector_load_idx %arg13[%broadcast_in_dim3A_14, %add3A_579] : memref<64x128xf32, #tpu.memory_space<vmem>>[vector<16xi32>, vector<16xi32>], vector<16xf32>,
        %mul3A_582 = arith.mulf %gather3A_580, %gather3A_581 : vector<16xf32>
        %add3A_583 = arith.addf %add3A_551, %mul3A_582 : vector<16xf32>
        %add3A_584 = arith.constant 4096 : i32
        %add3A_585 = vector.broadcast %add3A_584 : i32 to vector<16xi32>
        %add3A_586 = arith.addi %get3A_572, %add3A_585 : vector<16xi32>
        %gather3A_587 = tpu.vector_load_idx %arg12[%broadcast_in_dim3A_14, %add3A_586] : memref<64x128xf32, #tpu.memory_space<vmem>>[vector<16xi32>, vector<16xi32>], vector<16xf32>,
        %gather3A_588 = tpu.vector_load_idx %arg13[%broadcast_in_dim3A_14, %add3A_586] : memref<64x128xf32, #tpu.memory_space<vmem>>[vector<16xi32>, vector<16xi32>], vector<16xf32>,
        %mul3A_589 = arith.mulf %gather3A_587, %gather3A_588 : vector<16xf32>
        %add3A_590 = arith.addf %add3A_558, %mul3A_589 : vector<16xf32>
        %add3A_591 = arith.constant 6144 : i32
        %add3A_592 = vector.broadcast %add3A_591 : i32 to vector<16xi32>
        %add3A_593 = arith.addi %get3A_572, %add3A_592 : vector<16xi32>
        %gather3A_594 = tpu.vector_load_idx %arg12[%broadcast_in_dim3A_14, %add3A_593] : memref<64x128xf32, #tpu.memory_space<vmem>>[vector<16xi32>, vector<16xi32>], vector<16xf32>,
        %gather3A_595 = tpu.vector_load_idx %arg13[%broadcast_in_dim3A_14, %add3A_593] : memref<64x128xf32, #tpu.memory_space<vmem>>[vector<16xi32>, vector<16xi32>], vector<16xf32>,
        %mul3A_596 = arith.mulf %gather3A_594, %gather3A_595 : vector<16xf32>
        %add3A_597 = arith.addf %add3A_565, %mul3A_596 : vector<16xf32>
        scf.yield %add3A_576, %add3A_583, %add3A_590, %add3A_597 : vector<16xf32>, vector<16xf32>, vector<16xf32>, vector<16xf32>
      }
      %scan3A_281 = arith.constant 16 : i32
      %neg3A_282 = arith.constant 0.000000e+00 : f32
      %neg3A_283 = vector.broadcast %neg3A_282 : f32 to vector<16xf32>
      %neg3A_284 = arith.subf %neg3A_283, %scan3A_280#0 : vector<16xf32>
      %exp3A_285 = math.exp %neg3A_284 : vector<16xf32>
      %add3A_286 = arith.constant 1.000000e+00 : f32
      %add3A_287 = vector.broadcast %add3A_286 : f32 to vector<16xf32>
      %add3A_288 = arith.addf %add3A_287, %exp3A_285 : vector<16xf32>
      %div3A_289 = arith.constant 1.000000e+00 : f32
      %div3A_290 = vector.broadcast %div3A_289 : f32 to vector<16xf32>
      %div3A_291 = arith.divf %div3A_290, %add3A_288 : vector<16xf32>
      %swap3A_292 = arith.constant 0 : index
      %swap3A_293 = tpu.vector_load %arg15[%swap3A_292] {strides = array<i32>} : memref<64xf32, #tpu.memory_space<vmem>>, vector<16xf32>,
      tpu.vector_store %arg15[%swap3A_292], %div3A_291 {strides = array<i32>} : memref<64xf32, #tpu.memory_space<vmem>>, vector<16xf32>,
      %neg3A_294 = arith.constant 0.000000e+00 : f32
      %neg3A_295 = vector.broadcast %neg3A_294 : f32 to vector<16xf32>
      %neg3A_296 = arith.subf %neg3A_295, %scan3A_280#1 : vector<16xf32>
      %exp3A_297 = math.exp %neg3A_296 : vector<16xf32>
      %add3A_298 = arith.constant 1.000000e+00 : f32
      %add3A_299 = vector.broadcast %add3A_298 : f32 to vector<16xf32>
      %add3A_300 = arith.addf %add3A_299, %exp3A_297 : vector<16xf32>
      %div3A_301 = arith.constant 1.000000e+00 : f32
      %div3A_302 = vector.broadcast %div3A_301 : f32 to vector<16xf32>
      %div3A_303 = arith.divf %div3A_302, %add3A_300 : vector<16xf32>
      %swap3A_304 = arith.constant 16 : index
      %swap3A_305 = tpu.vector_load %arg15[%swap3A_304] {strides = array<i32>} : memref<64xf32, #tpu.memory_space<vmem>>, vector<16xf32>,
      tpu.vector_store %arg15[%swap3A_304], %div3A_303 {strides = array<i32>} : memref<64xf32, #tpu.memory_space<vmem>>, vector<16xf32>,
      %neg3A_306 = arith.constant 0.000000e+00 : f32
      %neg3A_307 = vector.broadcast %neg3A_306 : f32 to vector<16xf32>
      %neg3A_308 = arith.subf %neg3A_307, %scan3A_280#2 : vector<16xf32>
      %exp3A_309 = math.exp %neg3A_308 : vector<16xf32>
      %add3A_310 = arith.constant 1.000000e+00 : f32
      %add3A_311 = vector.broadcast %add3A_310 : f32 to vector<16xf32>
      %add3A_312 = arith.addf %add3A_311, %exp3A_309 : vector<16xf32>
      %div3A_313 = arith.constant 1.000000e+00 : f32
      %div3A_314 = vector.broadcast %div3A_313 : f32 to vector<16xf32>
      %div3A_315 = arith.divf %div3A_314, %add3A_312 : vector<16xf32>
      %swap3A_316 = arith.constant 32 : index
      %swap3A_317 = tpu.vector_load %arg15[%swap3A_316] {strides = array<i32>} : memref<64xf32, #tpu.memory_space<vmem>>, vector<16xf32>,
      tpu.vector_store %arg15[%swap3A_316], %div3A_315 {strides = array<i32>} : memref<64xf32, #tpu.memory_space<vmem>>, vector<16xf32>,
      %neg3A_318 = arith.constant 0.000000e+00 : f32
      %neg3A_319 = vector.broadcast %neg3A_318 : f32 to vector<16xf32>
      %neg3A_320 = arith.subf %neg3A_319, %scan3A_280#3 : vector<16xf32>
      %exp3A_321 = math.exp %neg3A_320 : vector<16xf32>
      %add3A_322 = arith.constant 1.000000e+00 : f32
      %add3A_323 = vector.broadcast %add3A_322 : f32 to vector<16xf32>
      %add3A_324 = arith.addf %add3A_323, %exp3A_321 : vector<16xf32>
      %div3A_325 = arith.constant 1.000000e+00 : f32
      %div3A_326 = vector.broadcast %div3A_325 : f32 to vector<16xf32>
      %div3A_327 = arith.divf %div3A_326, %add3A_324 : vector<16xf32>
      %swap3A_328 = arith.constant 48 : index
      %swap3A_329 = tpu.vector_load %arg15[%swap3A_328] {strides = array<i32>} : memref<64xf32, #tpu.memory_space<vmem>>, vector<16xf32>,
      tpu.vector_store %arg15[%swap3A_328], %div3A_327 {strides = array<i32>} : memref<64xf32, #tpu.memory_space<vmem>>, vector<16xf32>,
      %mul3A_330 = arith.constant 64 : i32
      %mul3A_331 = arith.muli %add3A_155, %mul3A_330 : i32
      %add3A_332 = arith.addi %mul3A_2, %mul3A_331 : i32
      %dma_start3A_333 = arith.constant 0 : i32
      %dma_start3A_334 = tpu.memref_slice %arg15[%dma_start3A_333] : memref<64xf32, #tpu.memory_space<vmem>> -> memref<64xf32, #tpu.memory_space<vmem>>
      %dma_start3A_335 = tpu.memref_slice %arg5[%add3A_332] : memref<320000xf32, #tpu.memory_space<hbm>> -> memref<64xf32, #tpu.memory_space<hbm>>
      %dma_start3A_336 = tpu.memref_slice %arg5[%add3A_332] : memref<320000xf32, #tpu.memory_space<hbm>> -> memref<64xf32, #tpu.memory_space<hbm>>
      %dma_start3A_337 = arith.constant 0 : i32
      %dma_start3A_338 = tpu.memref_slice %arg15[%dma_start3A_337] : memref<64xf32, #tpu.memory_space<vmem>> -> memref<64xf32, #tpu.memory_space<vmem>>
      tpu.enqueue_dma source(%dma_start3A_338 : memref<64xf32, #tpu.memory_space<vmem>>) target(%dma_start3A_336 : memref<64xf32, #tpu.memory_space<hbm>>) target_semaphore(%arg23 : memref<!tpu.dma_semaphore, #tpu.memory_space<semaphore_mem>>)
    }
    %scan3A_48 = arith.constant 78 : i32
    %add3A_49 = arith.constant 9984 : i32
    %add3A_50 = arith.addi %mul3A_2, %add3A_49 : i32
    %dma_start3A_51 = arith.constant 0 : i32
    %dma_start3A_52 = tpu.memref_slice %arg6[%dma_start3A_51] : memref<64xi32, #tpu.memory_space<vmem>> -> memref<16xi32, #tpu.memory_space<vmem>>
    %dma_start3A_53 = tpu.memref_slice %arg3[%add3A_50] : memref<320000xi32, #tpu.memory_space<hbm>> -> memref<16xi32, #tpu.memory_space<hbm>>
    %dma_start3A_54 = arith.constant 0 : i32
    %dma_start3A_55 = tpu.memref_slice %arg6[%dma_start3A_54] : memref<64xi32, #tpu.memory_space<vmem>> -> memref<16xi32, #tpu.memory_space<vmem>>
    %dma_start3A_56 = tpu.memref_slice %arg3[%add3A_50] : memref<320000xi32, #tpu.memory_space<hbm>> -> memref<16xi32, #tpu.memory_space<hbm>>
    tpu.enqueue_dma source(%dma_start3A_56 : memref<16xi32, #tpu.memory_space<hbm>>) target(%dma_start3A_55 : memref<16xi32, #tpu.memory_space<vmem>>) target_semaphore(%arg20 : memref<!tpu.dma_semaphore, #tpu.memory_space<semaphore_mem>>)
    %dma_wait3A_57 = arith.constant 0 : i32
    %dma_wait3A_58 = tpu.memref_slice %arg6[%dma_wait3A_57] : memref<64xi32, #tpu.memory_space<vmem>> -> memref<16xi32, #tpu.memory_space<vmem>>
    %dma_wait3A_59 = tpu.memref_slice %arg3[%add3A_50] : memref<320000xi32, #tpu.memory_space<hbm>> -> memref<16xi32, #tpu.memory_space<hbm>>
    %dma_wait3A_60 = arith.constant 0 : i32
    %dma_wait3A_61 = tpu.memref_slice %arg6[%dma_wait3A_60] : memref<64xi32, #tpu.memory_space<vmem>> -> memref<16xi32, #tpu.memory_space<vmem>>
    %dma_wait3A_62 = tpu.memref_slice %arg3[%add3A_50] : memref<320000xi32, #tpu.memory_space<hbm>> -> memref<16xi32, #tpu.memory_space<hbm>>
    tpu.wait_dma2 semaphore(%arg20 : memref<!tpu.dma_semaphore, #tpu.memory_space<semaphore_mem>>) src(%dma_wait3A_62 : memref<16xi32, #tpu.memory_space<hbm>>) dst(%dma_wait3A_61 : memref<16xi32, #tpu.memory_space<vmem>>)
    %add3A_63 = arith.constant 9984 : i32
    %add3A_64 = arith.addi %mul3A_2, %add3A_63 : i32
    %dma_start3A_65 = arith.constant 0 : i32
    %dma_start3A_66 = tpu.memref_slice %arg7[%dma_start3A_65] : memref<64xi32, #tpu.memory_space<vmem>> -> memref<16xi32, #tpu.memory_space<vmem>>
    %dma_start3A_67 = tpu.memref_slice %arg4[%add3A_64] : memref<320000xi32, #tpu.memory_space<hbm>> -> memref<16xi32, #tpu.memory_space<hbm>>
    %dma_start3A_68 = arith.constant 0 : i32
    %dma_start3A_69 = tpu.memref_slice %arg7[%dma_start3A_68] : memref<64xi32, #tpu.memory_space<vmem>> -> memref<16xi32, #tpu.memory_space<vmem>>
    %dma_start3A_70 = tpu.memref_slice %arg4[%add3A_64] : memref<320000xi32, #tpu.memory_space<hbm>> -> memref<16xi32, #tpu.memory_space<hbm>>
    tpu.enqueue_dma source(%dma_start3A_70 : memref<16xi32, #tpu.memory_space<hbm>>) target(%dma_start3A_69 : memref<16xi32, #tpu.memory_space<vmem>>) target_semaphore(%arg20 : memref<!tpu.dma_semaphore, #tpu.memory_space<semaphore_mem>>)
    %dma_wait3A_71 = arith.constant 0 : i32
    %dma_wait3A_72 = tpu.memref_slice %arg7[%dma_wait3A_71] : memref<64xi32, #tpu.memory_space<vmem>> -> memref<16xi32, #tpu.memory_space<vmem>>
    %dma_wait3A_73 = tpu.memref_slice %arg4[%add3A_64] : memref<320000xi32, #tpu.memory_space<hbm>> -> memref<16xi32, #tpu.memory_space<hbm>>
    %dma_wait3A_74 = arith.constant 0 : i32
    %dma_wait3A_75 = tpu.memref_slice %arg7[%dma_wait3A_74] : memref<64xi32, #tpu.memory_space<vmem>> -> memref<16xi32, #tpu.memory_space<vmem>>
    %dma_wait3A_76 = tpu.memref_slice %arg4[%add3A_64] : memref<320000xi32, #tpu.memory_space<hbm>> -> memref<16xi32, #tpu.memory_space<hbm>>
    tpu.wait_dma2 semaphore(%arg20 : memref<!tpu.dma_semaphore, #tpu.memory_space<semaphore_mem>>) src(%dma_wait3A_76 : memref<16xi32, #tpu.memory_space<hbm>>) dst(%dma_wait3A_75 : memref<16xi32, #tpu.memory_space<vmem>>)
    %dma_start3A_77 = arith.constant 0 : i32
    %dma_start3A_78 = arith.constant 0 : i32
    %dma_start3A_79 = tpu.memref_slice %arg10[%dma_start3A_77, %dma_start3A_78] : memref<64x128xf32, #tpu.memory_space<vmem>> -> memref<16x128xf32, #tpu.memory_space<vmem>>
    %dma_start3A_80 = arith.constant 0 : i32
    %dma_start3A_81 = tpu.memref_slice %arg6[%dma_start3A_80] : memref<64xi32, #tpu.memory_space<vmem>> -> memref<16xi32, #tpu.memory_space<vmem>>
    %dma_start3A_82 = arith.constant 0 : i32
    %dma_start3A_83 = arith.constant 0 : i32
    %dma_start3A_84 = tpu.memref_slice %arg17[%dma_start3A_82, %dma_start3A_83] : memref<10000x128xf32, #tpu.memory_space<vmem_shared>> -> memref<10000x128xf32, #tpu.memory_space<vmem_shared>>
    tpu.enqueue_indirect_dma source(%dma_start3A_84 : memref<10000x128xf32, #tpu.memory_space<vmem_shared>>) target(%dma_start3A_79 : memref<16x128xf32, #tpu.memory_space<vmem>>) offsets(%dma_start3A_81 : memref<16xi32, #tpu.memory_space<vmem>>) semaphore(%arg18 : memref<!tpu.dma_semaphore, #tpu.memory_space<semaphore_mem>>)
    %dma_wait3A_85 = arith.constant 0 : i32
    %dma_wait3A_86 = arith.constant 0 : i32
    %dma_wait3A_87 = tpu.memref_slice %arg10[%dma_wait3A_85, %dma_wait3A_86] : memref<64x128xf32, #tpu.memory_space<vmem>> -> memref<16x128xf32, #tpu.memory_space<vmem>>
    %dma_wait3A_88 = arith.constant 0 : i32
    %dma_wait3A_89 = tpu.memref_slice %arg6[%dma_wait3A_88] : memref<64xi32, #tpu.memory_space<vmem>> -> memref<16xi32, #tpu.memory_space<vmem>>
    %dma_wait3A_90 = arith.constant 0 : i32
    %dma_wait3A_91 = arith.constant 0 : i32
    %dma_wait3A_92 = tpu.memref_slice %arg17[%dma_wait3A_90, %dma_wait3A_91] : memref<10000x128xf32, #tpu.memory_space<vmem_shared>> -> memref<10000x128xf32, #tpu.memory_space<vmem_shared>>
    tpu.wait_indirect_dma semaphore(%arg18 : memref<!tpu.dma_semaphore, #tpu.memory_space<semaphore_mem>>) src(%dma_wait3A_92 : memref<10000x128xf32, #tpu.memory_space<vmem_shared>>) dst(%dma_wait3A_87 : memref<16x128xf32, #tpu.memory_space<vmem>>)
    %dma_start3A_93 = arith.constant 0 : i32
    %dma_start3A_94 = arith.constant 0 : i32
    %dma_start3A_95 = tpu.memref_slice %arg11[%dma_start3A_93, %dma_start3A_94] : memref<64x128xf32, #tpu.memory_space<vmem>> -> memref<16x128xf32, #tpu.memory_space<vmem>>
    %dma_start3A_96 = arith.constant 0 : i32
    %dma_start3A_97 = tpu.memref_slice %arg7[%dma_start3A_96] : memref<64xi32, #tpu.memory_space<vmem>> -> memref<16xi32, #tpu.memory_space<vmem>>
    %dma_start3A_98 = arith.constant 0 : i32
    %dma_start3A_99 = arith.constant 0 : i32
    %dma_start3A_100 = tpu.memref_slice %arg17[%dma_start3A_98, %dma_start3A_99] : memref<10000x128xf32, #tpu.memory_space<vmem_shared>> -> memref<10000x128xf32, #tpu.memory_space<vmem_shared>>
    tpu.enqueue_indirect_dma source(%dma_start3A_100 : memref<10000x128xf32, #tpu.memory_space<vmem_shared>>) target(%dma_start3A_95 : memref<16x128xf32, #tpu.memory_space<vmem>>) offsets(%dma_start3A_97 : memref<16xi32, #tpu.memory_space<vmem>>) semaphore(%arg18 : memref<!tpu.dma_semaphore, #tpu.memory_space<semaphore_mem>>)
    %dma_wait3A_101 = arith.constant 0 : i32
    %dma_wait3A_102 = arith.constant 0 : i32
    %dma_wait3A_103 = tpu.memref_slice %arg11[%dma_wait3A_101, %dma_wait3A_102] : memref<64x128xf32, #tpu.memory_space<vmem>> -> memref<16x128xf32, #tpu.memory_space<vmem>>
    %dma_wait3A_104 = arith.constant 0 : i32
    %dma_wait3A_105 = tpu.memref_slice %arg7[%dma_wait3A_104] : memref<64xi32, #tpu.memory_space<vmem>> -> memref<16xi32, #tpu.memory_space<vmem>>
    %dma_wait3A_106 = arith.constant 0 : i32
    %dma_wait3A_107 = arith.constant 0 : i32
    %dma_wait3A_108 = tpu.memref_slice %arg17[%dma_wait3A_106, %dma_wait3A_107] : memref<10000x128xf32, #tpu.memory_space<vmem_shared>> -> memref<10000x128xf32, #tpu.memory_space<vmem_shared>>
    tpu.wait_indirect_dma semaphore(%arg18 : memref<!tpu.dma_semaphore, #tpu.memory_space<semaphore_mem>>) src(%dma_wait3A_108 : memref<10000x128xf32, #tpu.memory_space<vmem_shared>>) dst(%dma_wait3A_103 : memref<16x128xf32, #tpu.memory_space<vmem>>)
    %dma_wait3A_109 = arith.constant 0 : i32
    %dma_wait3A_110 = tpu.memref_slice %arg5[%dma_wait3A_109] : memref<320000xf32, #tpu.memory_space<hbm>> -> memref<64xf32, #tpu.memory_space<hbm>>
    %dma_wait3A_111 = arith.constant 0 : i32
    %dma_wait3A_112 = tpu.memref_slice %arg5[%dma_wait3A_111] : memref<320000xf32, #tpu.memory_space<hbm>> -> memref<64xf32, #tpu.memory_space<hbm>>
    tpu.wait_dma2 semaphore(%arg22 : memref<!tpu.dma_semaphore, #tpu.memory_space<semaphore_mem>>) src(%arg14 : memref<64xf32, #tpu.memory_space<vmem>>) dst(%dma_wait3A_112 : memref<64xf32, #tpu.memory_space<hbm>>)
    %broadcast_in_dim3A_113 = arith.constant 0.000000e+00 : f32
    %broadcast_in_dim3A_114 = vector.broadcast %broadcast_in_dim3A_113 : f32 to vector<16xf32>
    %scan3A_115 = arith.constant 0 : i32
    %scan3A_116 = arith.constant 16 : i32
    %scan3A_117 = arith.addi %scan3A_115, %scan3A_116 : i32
    %scan3A_118 = arith.constant 1 : i32
    %scan3A_119 = scf.for %scan3A_149 = %scan3A_115 to %scan3A_117 step %scan3A_118 iter_args(%scan3A_150 = %broadcast_in_dim3A_114) -> (vector<16xf32>)  : i32 {
      %mul3A_151 = arith.constant 8 : i32
      %mul3A_152 = arith.muli %scan3A_149, %mul3A_151 : i32
      %add3A_153 = arith.constant 0 : i32
      %add3A_154 = arith.addi %mul3A_152, %add3A_153 : i32
      %get3A = arith.index_cast %add3A_154 : i32 to index
      %get3A_155 = arith.constant 0 : index
      %get3A_156 = tpu.vector_load %arg16[%get3A, %get3A_155] {strides = array<i32>} : memref<128x16xi32, #tpu.memory_space<vmem>>, vector<16xi32>,
      %gather3A = tpu.vector_load_idx %arg10[%broadcast_in_dim3A_14, %get3A_156] : memref<64x128xf32, #tpu.memory_space<vmem>>[vector<16xi32>, vector<16xi32>], vector<16xf32>,
      %gather3A_157 = tpu.vector_load_idx %arg11[%broadcast_in_dim3A_14, %get3A_156] : memref<64x128xf32, #tpu.memory_space<vmem>>[vector<16xi32>, vector<16xi32>], vector<16xf32>,
      %mul3A_158 = arith.mulf %gather3A, %gather3A_157 : vector<16xf32>
      %add3A_159 = arith.addf %scan3A_150, %mul3A_158 : vector<16xf32>
      %mul3A_160 = arith.constant 8 : i32
      %mul3A_161 = arith.muli %scan3A_149, %mul3A_160 : i32
      %add3A_162 = arith.constant 1 : i32
      %add3A_163 = arith.addi %mul3A_161, %add3A_162 : i32
      %get3A_164 = arith.index_cast %add3A_163 : i32 to index
      %get3A_165 = arith.constant 0 : index
      %get3A_166 = tpu.vector_load %arg16[%get3A_164, %get3A_165] {strides = array<i32>} : memref<128x16xi32, #tpu.memory_space<vmem>>, vector<16xi32>,
      %gather3A_167 = tpu.vector_load_idx %arg10[%broadcast_in_dim3A_14, %get3A_166] : memref<64x128xf32, #tpu.memory_space<vmem>>[vector<16xi32>, vector<16xi32>], vector<16xf32>,
      %gather3A_168 = tpu.vector_load_idx %arg11[%broadcast_in_dim3A_14, %get3A_166] : memref<64x128xf32, #tpu.memory_space<vmem>>[vector<16xi32>, vector<16xi32>], vector<16xf32>,
      %mul3A_169 = arith.mulf %gather3A_167, %gather3A_168 : vector<16xf32>
      %add3A_170 = arith.addf %add3A_159, %mul3A_169 : vector<16xf32>
      %mul3A_171 = arith.constant 8 : i32
      %mul3A_172 = arith.muli %scan3A_149, %mul3A_171 : i32
      %add3A_173 = arith.constant 2 : i32
      %add3A_174 = arith.addi %mul3A_172, %add3A_173 : i32
      %get3A_175 = arith.index_cast %add3A_174 : i32 to index
      %get3A_176 = arith.constant 0 : index
      %get3A_177 = tpu.vector_load %arg16[%get3A_175, %get3A_176] {strides = array<i32>} : memref<128x16xi32, #tpu.memory_space<vmem>>, vector<16xi32>,
      %gather3A_178 = tpu.vector_load_idx %arg10[%broadcast_in_dim3A_14, %get3A_177] : memref<64x128xf32, #tpu.memory_space<vmem>>[vector<16xi32>, vector<16xi32>], vector<16xf32>,
      %gather3A_179 = tpu.vector_load_idx %arg11[%broadcast_in_dim3A_14, %get3A_177] : memref<64x128xf32, #tpu.memory_space<vmem>>[vector<16xi32>, vector<16xi32>], vector<16xf32>,
      %mul3A_180 = arith.mulf %gather3A_178, %gather3A_179 : vector<16xf32>
      %add3A_181 = arith.addf %add3A_170, %mul3A_180 : vector<16xf32>
      %mul3A_182 = arith.constant 8 : i32
      %mul3A_183 = arith.muli %scan3A_149, %mul3A_182 : i32
      %add3A_184 = arith.constant 3 : i32
      %add3A_185 = arith.addi %mul3A_183, %add3A_184 : i32
      %get3A_186 = arith.index_cast %add3A_185 : i32 to index
      %get3A_187 = arith.constant 0 : index
      %get3A_188 = tpu.vector_load %arg16[%get3A_186, %get3A_187] {strides = array<i32>} : memref<128x16xi32, #tpu.memory_space<vmem>>, vector<16xi32>,
      %gather3A_189 = tpu.vector_load_idx %arg10[%broadcast_in_dim3A_14, %get3A_188] : memref<64x128xf32, #tpu.memory_space<vmem>>[vector<16xi32>, vector<16xi32>], vector<16xf32>,
      %gather3A_190 = tpu.vector_load_idx %arg11[%broadcast_in_dim3A_14, %get3A_188] : memref<64x128xf32, #tpu.memory_space<vmem>>[vector<16xi32>, vector<16xi32>], vector<16xf32>,
      %mul3A_191 = arith.mulf %gather3A_189, %gather3A_190 : vector<16xf32>
      %add3A_192 = arith.addf %add3A_181, %mul3A_191 : vector<16xf32>
      %mul3A_193 = arith.constant 8 : i32
      %mul3A_194 = arith.muli %scan3A_149, %mul3A_193 : i32
      %add3A_195 = arith.constant 4 : i32
      %add3A_196 = arith.addi %mul3A_194, %add3A_195 : i32
      %get3A_197 = arith.index_cast %add3A_196 : i32 to index
      %get3A_198 = arith.constant 0 : index
      %get3A_199 = tpu.vector_load %arg16[%get3A_197, %get3A_198] {strides = array<i32>} : memref<128x16xi32, #tpu.memory_space<vmem>>, vector<16xi32>,
      %gather3A_200 = tpu.vector_load_idx %arg10[%broadcast_in_dim3A_14, %get3A_199] : memref<64x128xf32, #tpu.memory_space<vmem>>[vector<16xi32>, vector<16xi32>], vector<16xf32>,
      %gather3A_201 = tpu.vector_load_idx %arg11[%broadcast_in_dim3A_14, %get3A_199] : memref<64x128xf32, #tpu.memory_space<vmem>>[vector<16xi32>, vector<16xi32>], vector<16xf32>,
      %mul3A_202 = arith.mulf %gather3A_200, %gather3A_201 : vector<16xf32>
      %add3A_203 = arith.addf %add3A_192, %mul3A_202 : vector<16xf32>
      %mul3A_204 = arith.constant 8 : i32
      %mul3A_205 = arith.muli %scan3A_149, %mul3A_204 : i32
      %add3A_206 = arith.constant 5 : i32
      %add3A_207 = arith.addi %mul3A_205, %add3A_206 : i32
      %get3A_208 = arith.index_cast %add3A_207 : i32 to index
      %get3A_209 = arith.constant 0 : index
      %get3A_210 = tpu.vector_load %arg16[%get3A_208, %get3A_209] {strides = array<i32>} : memref<128x16xi32, #tpu.memory_space<vmem>>, vector<16xi32>,
      %gather3A_211 = tpu.vector_load_idx %arg10[%broadcast_in_dim3A_14, %get3A_210] : memref<64x128xf32, #tpu.memory_space<vmem>>[vector<16xi32>, vector<16xi32>], vector<16xf32>,
      %gather3A_212 = tpu.vector_load_idx %arg11[%broadcast_in_dim3A_14, %get3A_210] : memref<64x128xf32, #tpu.memory_space<vmem>>[vector<16xi32>, vector<16xi32>], vector<16xf32>,
      %mul3A_213 = arith.mulf %gather3A_211, %gather3A_212 : vector<16xf32>
      %add3A_214 = arith.addf %add3A_203, %mul3A_213 : vector<16xf32>
      %mul3A_215 = arith.constant 8 : i32
      %mul3A_216 = arith.muli %scan3A_149, %mul3A_215 : i32
      %add3A_217 = arith.constant 6 : i32
      %add3A_218 = arith.addi %mul3A_216, %add3A_217 : i32
      %get3A_219 = arith.index_cast %add3A_218 : i32 to index
      %get3A_220 = arith.constant 0 : index
      %get3A_221 = tpu.vector_load %arg16[%get3A_219, %get3A_220] {strides = array<i32>} : memref<128x16xi32, #tpu.memory_space<vmem>>, vector<16xi32>,
      %gather3A_222 = tpu.vector_load_idx %arg10[%broadcast_in_dim3A_14, %get3A_221] : memref<64x128xf32, #tpu.memory_space<vmem>>[vector<16xi32>, vector<16xi32>], vector<16xf32>,
      %gather3A_223 = tpu.vector_load_idx %arg11[%broadcast_in_dim3A_14, %get3A_221] : memref<64x128xf32, #tpu.memory_space<vmem>>[vector<16xi32>, vector<16xi32>], vector<16xf32>,
      %mul3A_224 = arith.mulf %gather3A_222, %gather3A_223 : vector<16xf32>
      %add3A_225 = arith.addf %add3A_214, %mul3A_224 : vector<16xf32>
      %mul3A_226 = arith.constant 8 : i32
      %mul3A_227 = arith.muli %scan3A_149, %mul3A_226 : i32
      %add3A_228 = arith.constant 7 : i32
      %add3A_229 = arith.addi %mul3A_227, %add3A_228 : i32
      %get3A_230 = arith.index_cast %add3A_229 : i32 to index
      %get3A_231 = arith.constant 0 : index
      %get3A_232 = tpu.vector_load %arg16[%get3A_230, %get3A_231] {strides = array<i32>} : memref<128x16xi32, #tpu.memory_space<vmem>>, vector<16xi32>,
      %gather3A_233 = tpu.vector_load_idx %arg10[%broadcast_in_dim3A_14, %get3A_232] : memref<64x128xf32, #tpu.memory_space<vmem>>[vector<16xi32>, vector<16xi32>], vector<16xf32>,
      %gather3A_234 = tpu.vector_load_idx %arg11[%broadcast_in_dim3A_14, %get3A_232] : memref<64x128xf32, #tpu.memory_space<vmem>>[vector<16xi32>, vector<16xi32>], vector<16xf32>,
      %mul3A_235 = arith.mulf %gather3A_233, %gather3A_234 : vector<16xf32>
      %add3A_236 = arith.addf %add3A_225, %mul3A_235 : vector<16xf32>
      scf.yield %add3A_236 : vector<16xf32>
    }
    %scan3A_120 = arith.constant 16 : i32
    %neg3A = arith.constant 0.000000e+00 : f32
    %neg3A_121 = vector.broadcast %neg3A : f32 to vector<16xf32>
    %neg3A_122 = arith.subf %neg3A_121, %scan3A_119 : vector<16xf32>
    %exp3A = math.exp %neg3A_122 : vector<16xf32>
    %add3A_123 = arith.constant 1.000000e+00 : f32
    %add3A_124 = vector.broadcast %add3A_123 : f32 to vector<16xf32>
    %add3A_125 = arith.addf %add3A_124, %exp3A : vector<16xf32>
    %div3A = arith.constant 1.000000e+00 : f32
    %div3A_126 = vector.broadcast %div3A : f32 to vector<16xf32>
    %div3A_127 = arith.divf %div3A_126, %add3A_125 : vector<16xf32>
    %swap3A = arith.constant 0 : index
    %swap3A_128 = tpu.vector_load %arg14[%swap3A] {strides = array<i32>} : memref<64xf32, #tpu.memory_space<vmem>>, vector<16xf32>,
    tpu.vector_store %arg14[%swap3A], %div3A_127 {strides = array<i32>} : memref<64xf32, #tpu.memory_space<vmem>>, vector<16xf32>,
    %add3A_129 = arith.constant 9984 : i32
    %add3A_130 = arith.addi %mul3A_2, %add3A_129 : i32
    %dma_start3A_131 = arith.constant 0 : i32
    %dma_start3A_132 = tpu.memref_slice %arg14[%dma_start3A_131] : memref<64xf32, #tpu.memory_space<vmem>> -> memref<16xf32, #tpu.memory_space<vmem>>
    %dma_start3A_133 = tpu.memref_slice %arg5[%add3A_130] : memref<320000xf32, #tpu.memory_space<hbm>> -> memref<16xf32, #tpu.memory_space<hbm>>
    %dma_start3A_134 = tpu.memref_slice %arg5[%add3A_130] : memref<320000xf32, #tpu.memory_space<hbm>> -> memref<16xf32, #tpu.memory_space<hbm>>
    %dma_start3A_135 = arith.constant 0 : i32
    %dma_start3A_136 = tpu.memref_slice %arg14[%dma_start3A_135] : memref<64xf32, #tpu.memory_space<vmem>> -> memref<16xf32, #tpu.memory_space<vmem>>
    tpu.enqueue_dma source(%dma_start3A_136 : memref<16xf32, #tpu.memory_space<vmem>>) target(%dma_start3A_134 : memref<16xf32, #tpu.memory_space<hbm>>) target_semaphore(%arg22 : memref<!tpu.dma_semaphore, #tpu.memory_space<semaphore_mem>>)
    %dma_wait3A_137 = arith.constant 0 : i32
    %dma_wait3A_138 = tpu.memref_slice %arg5[%dma_wait3A_137] : memref<320000xf32, #tpu.memory_space<hbm>> -> memref<64xf32, #tpu.memory_space<hbm>>
    %dma_wait3A_139 = arith.constant 0 : i32
    %dma_wait3A_140 = tpu.memref_slice %arg5[%dma_wait3A_139] : memref<320000xf32, #tpu.memory_space<hbm>> -> memref<64xf32, #tpu.memory_space<hbm>>
    tpu.wait_dma2 semaphore(%arg23 : memref<!tpu.dma_semaphore, #tpu.memory_space<semaphore_mem>>) src(%arg15 : memref<64xf32, #tpu.memory_space<vmem>>) dst(%dma_wait3A_140 : memref<64xf32, #tpu.memory_space<hbm>>)
    %dma_wait3A_141 = arith.constant 0 : i32
    %dma_wait3A_142 = tpu.memref_slice %arg14[%dma_wait3A_141] : memref<64xf32, #tpu.memory_space<vmem>> -> memref<16xf32, #tpu.memory_space<vmem>>
    %dma_wait3A_143 = arith.constant 0 : i32
    %dma_wait3A_144 = tpu.memref_slice %arg5[%dma_wait3A_143] : memref<320000xf32, #tpu.memory_space<hbm>> -> memref<16xf32, #tpu.memory_space<hbm>>
    %dma_wait3A_145 = arith.constant 0 : i32
    %dma_wait3A_146 = tpu.memref_slice %arg5[%dma_wait3A_145] : memref<320000xf32, #tpu.memory_space<hbm>> -> memref<16xf32, #tpu.memory_space<hbm>>
    %dma_wait3A_147 = arith.constant 0 : i32
    %dma_wait3A_148 = tpu.memref_slice %arg14[%dma_wait3A_147] : memref<64xf32, #tpu.memory_space<vmem>> -> memref<16xf32, #tpu.memory_space<vmem>>
    tpu.wait_dma2 semaphore(%arg22 : memref<!tpu.dma_semaphore, #tpu.memory_space<semaphore_mem>>) src(%dma_wait3A_148 : memref<16xf32, #tpu.memory_space<vmem>>) dst(%dma_wait3A_146 : memref<16xf32, #tpu.memory_space<hbm>>)
    return
  }
}

</mosaic_0001>

<sc_bundles>
// kernel: _run.3.cloned.1.call-start
scs
__scs_entry_jumppad:
0x0: {  	(pc) =	sbr.rel $0x88, $3  }
0x1: {  	(tag) =	ssettag $0x0;
	lr =	simm.s32 $0x1  }
0x2: {  	[smem:$0x3F9E] =	sst lr;
	_ =	strace $0xD0000000  }
0x3: {  	_ = 	snop  }
0x4: {  	_ = 	snop  }
0x5: {  	_ = 	snop  }
0x6: {  	_ = 	snop  }
0x7: {  	_ = 	snop  }
__scs_overlays_trampoline_lowered:
0x8: {  	[smem:$0x3FAD] =	sst s0  }
0x9: {  	[smem:$0x3FAE] =	sst s1  }
0xa: {  	[smem:$0x3FAF] =	sst s2  }
0xb: {  	[smem:$0x3FB0] =	sst s3  }
0xc: {  	[smem:$0x3FB1] =	sst s4  }
0xd: {  	[smem:$0x3FB2] =	sst s5  }
0xe: {  	[smem:$0x3FB3] =	sst s6  }
0xf: {  	[smem:$0x3FB4] =	sst s7  }
0x10: {  	[smem:$0x3FB5] =	sst s8  }
0x11: {  	[smem:$0x3FB6] =	sst s9;
	s0 =	simm.s32 @!p0 $0x0  }
0x12: {  	s1 =	sld [smem:$0x3F9C];
	s0 =	simm.s32 @p0 $0x1  }
0x13: {  	[smem:$0x3FB7] =	sst s0;
	s0 =	simm.s32 @!p1 $0x0  }
0x14: {  	s2 =	sld [smem:$0x3F9B];
	s0 =	simm.s32 @p1 $0x1  }
0x15: {  	[smem:$0x3FB8] =	sst s0;
	s0 =	simm.s32 @!p2 $0x0  }
0x16: {  	s3 =	sld [smem:$0x3FDB];
	s0 =	simm.s32 @p2 $0x1  }
0x17: {  	s4 =	simm.s32 $0x1BF5;
	[smem:$0x3FBA] =	sst s0  }
0x18: {  	s0 =	sld [smem:$0x3F9D];
	_ =	swait.ge [sflag:s4], $0x0  }
0x19: {  	s7 =	sld [smem:$0x3F9E]  }
0x1a: {  	s8 =	sadd.s32 $0xFFFFE003, lr  }
0x1b: {  	s9 =	sadd.s32 $0xFFFFFEF7, lr;
	s5 =	simm.s32 $0xFFFFFFFF;
	p2 =	slt.u32 s8, $0xFFFFF086  }
0x1c: {  	p1 =	slt.u32 s9, $0xF7A;
	s5 =	simm.s32 @!p2 $0x0  }
0x1d: {  	s5 =	simm.s32 @p1 $0x1;
	p0 =	seq.s32 s7, s2  }
0x1e: {  	s7 =	smul.u32 @!p0 $0xF7A, s2;
	p2 =	seq.s32 @!p0 s5, $0x0  }
0x1f: {  	s9 =	smul.u32 $0xF7A, s1;
	s8 =	simm.s32 @!p0 $0x1BF5;
	p2 =	por !p2, p0  }
0x20: {  	[sflag:s8] =	ssyncset.s32 @!p0 $0xFFFFF086;
	s6 =	sadd.s32 @!p0 s3, s7;
	s7 =	simm.s32 @!p0 $0x108  }
0x21: {  	s3 =	sadd.s32 s3, s9;
	s6 =	sadd.s32 @!p0 $0x88, s6;
	s7 =	simm.s32 @p2 $0x1082  }
0x22: {  	[simem:s7], [sflag:s8] =	dma.local @!p0 [hbm:s6], $0xF7A  }
0x23: {  	s9 =	sor.u32 $0xD0000000, s2;
	s6 =	simm.s32 $0x108;
	_ =	swait.ge @!p0 [sflag:s8], $0x0  }
0x24: {  	s3 =	sadd.s32 $0x88, s3;
	s6 =	simm.s32 @!p1 $0x1082;
	[sflag:s4] =	ssyncset.s32 $0xFFFFF086  }
0x25: {  	[simem:s6], [sflag:s4] =	dma.local [hbm:s3], $0xF7A  }
0x26: {  	[smem:$0x3F9E] =	sst s1;
	(tag) =	ssettag s2;
	_ =	strace s9  }
0x27: {  	s1 =	sld [smem:$0x3FAE]  }
0x28: {  	s2 =	sld [smem:$0x3FAF]  }
0x29: {  	s4 =	sld [smem:$0x3FB1]  }
0x2a: {  	p0 =	seq.s32 s5, $0x0;
	s5 =	sld [smem:$0x3FB2]  }
0x2b: {  	s6 =	sld [smem:$0x3FB3]  }
0x2c: {  	s7 =	sld [smem:$0x3FB4]  }
0x2d: {  	s3 =	simm.s32 $0x108;
	s8 =	sld [smem:$0x3FB5]  }
0x2e: {  	s3 =	simm.s32 @!p0 $0x1082;
	s9 =	sld [smem:$0x3FB6]  }
0x2f: {  	lr =	sadd.s32 s0, s3;
	s0 =	sld [smem:$0x3FAD]  }
0x30: {  	s3 =	sld [smem:$0x3FB0]  }
0x31: {  	[smem:$0x3FB9] =	sst s10  }
0x32: {  	s10 =	sld [smem:$0x3FB7];
	_ =	sdelay $0x3  }
0x33: {  	p0 =	seq.s32 s10, $0x1;
	s10 =	sld [smem:$0x3FB9];
	_ =	sdelay $0x3  }
0x34: {  	[smem:$0x3FB9] =	sst s10  }
0x35: {  	s10 =	sld [smem:$0x3FB8];
	_ =	sdelay $0x3  }
0x36: {  	p1 =	seq.s32 s10, $0x1;
	s10 =	sld [smem:$0x3FB9];
	_ =	sdelay $0x3  }
0x37: {  	[smem:$0x3FB9] =	sst s10  }
0x38: {  	s10 =	sld [smem:$0x3FBA]  }
0x39: {  	_ = 	snop;
	(pc) =	sbr.ind lr, $3  }
0x3a: {  	_ = 	snop  }
0x3b: {  	_ = 	snop  }
0x3c: {  	p2 =	seq.s32 s10, $0x1;
	s10 =	sld [smem:$0x3FB9]  }
0x3d: {  	_ =	shalt  }
0x3e: {  	_ =	shalt  }
0x3f: {  	_ =	shalt  }
0x40: {  	_ =	shalt  }
0x41: {  	_ =	shalt  }
0x42: {  	_ =	shalt  }
0x43: {  	_ =	shalt  }
0x44: {  	_ =	shalt  }
0x45: {  	_ =	shalt  }
0x46: {  	_ =	shalt  }
0x47: {  	_ =	shalt  }
0x48: {  	_ =	shalt  }
0x49: {  	_ =	shalt  }
0x4a: {  	_ =	shalt  }
0x4b: {  	_ =	shalt  }
0x4c: {  	_ =	shalt  }
0x4d: {  	_ =	shalt  }
0x4e: {  	_ =	shalt  }
0x4f: {  	_ =	shalt  }
0x50: {  	_ =	shalt  }
0x51: {  	_ =	shalt  }
0x52: {  	_ =	shalt  }
0x53: {  	_ =	shalt  }
0x54: {  	_ =	shalt  }
0x55: {  	_ =	shalt  }
0x56: {  	_ =	shalt  }
0x57: {  	_ =	shalt  }
0x58: {  	_ =	shalt  }
0x59: {  	_ =	shalt  }
0x5a: {  	_ =	shalt  }
0x5b: {  	_ =	shalt  }
0x5c: {  	_ =	shalt  }
0x5d: {  	_ =	shalt  }
0x5e: {  	_ =	shalt  }
0x5f: {  	_ =	shalt  }
0x60: {  	_ =	shalt  }
0x61: {  	_ =	shalt  }
0x62: {  	_ =	shalt  }
0x63: {  	_ =	shalt  }
0x64: {  	_ =	shalt  }
0x65: {  	_ =	shalt  }
0x66: {  	_ =	shalt  }
0x67: {  	_ =	shalt  }
0x68: {  	_ =	shalt  }
0x69: {  	_ =	shalt  }
0x6a: {  	_ =	shalt  }
0x6b: {  	_ =	shalt  }
0x6c: {  	_ =	shalt  }
0x6d: {  	_ =	shalt  }
0x6e: {  	_ =	shalt  }
0x6f: {  	_ =	shalt  }
0x70: {  	_ =	shalt  }
0x71: {  	_ =	shalt  }
0x72: {  	_ =	shalt  }
0x73: {  	_ =	shalt  }
0x74: {  	_ =	shalt  }
0x75: {  	_ =	shalt  }
0x76: {  	_ =	shalt  }
0x77: {  	_ =	shalt  }
0x78: {  	_ =	shalt  }
0x79: {  	_ =	shalt  }
0x7a: {  	_ =	shalt  }
0x7b: {  	_ =	shalt  }
0x7c: {  	_ =	shalt  }
0x7d: {  	_ =	shalt  }
0x7e: {  	_ =	shalt  }
0x7f: {  	_ =	shalt  }
0x80: {  	_ =	shalt  }
0x81: {  	_ =	shalt  }
0x82: {  	_ =	shalt  }
0x83: {  	_ =	shalt  }
0x84: {  	_ =	shalt  }
0x85: {  	_ =	shalt  }
0x86: {  	_ =	shalt  }
0x87: {  	_ =	shalt  }
.Lfunc_end0:
.L_simem_size_0:
called_computation_lowered:
.L_overlay_start_0:
0x88: {  	s2 =	sld [smem:$0x3FD9]  }
0x89: {  	s3 =	sld [smem:$0x3FFE];
	_ =	sdelay $0x1  }
0x8a: {  	s1 =	srdreg.scid  }
0x8b: {  	s0 =	sand.u32 $0x1, s1  }
0x8c: {  	s18 =	sshll.u32 s0, $0xA;
	s2 =	sadd.s32 s3, s2  }
0x8d: {  	s2 =	sadd.s32 s2, s18  }
0x8e: {  	[smem:$0x3FC5] =	sst s2  }
0x8f: {  	_ = 	snop  }
0x90: {  	s2 =	sld [smem:$0x3FC9]  }
0x91: {  	s19 =	sld [smem:$0x3FC8]  }
0x92: {  	s4 =	sld [smem:$0x3FC7]  }
0x93: {  	s5 =	sld [smem:$0x3FD0];
	(tm) =	ssettm $0x1  }
0x94: {  	s6 =	sld [smem:$0x3FFB];
	_ =	sdelay $0x3  }
0x95: {  	_ =	strace s6  }
0x96: {  	s6 =	sld [smem:$0x3FFC];
	_ =	sdelay $0x3  }
0x97: {  	_ =	strace s6  }
0x98: {  	s6 =	sld [smem:$0x3FFD];
	_ =	sdelay $0x3  }
0x99: {  	_ =	strace s6  }
0x9a: {  	_ =	strace $0x8FFFFFFF  }
0x9b: {  	s20 =	sld [smem:$0x3FDB];
	_ =	sdelay $0x1  }
0x9c: {  	s7 =	simm.s32 $_scs_section_size  }
0x9d: {  	s8 =	simm.s32 $_size__tile_overlayer_lowered;
	s9 =	simm.s32 $_tile_overlayer_lowered  }
0x9e: {  	s23 =	simm.s32 $0x1BFF;
	s22 =	sshll.u32 s9, $0x1;
	s6 =	sadd.s32 s7, s20  }
0x9f: {  	s10 =	simm.s32 $0x0;
	s21 =	sshll.u32 s8, $0x1;
	s8 =	sadd.s32 s22, s6  }
0xa0: {  	[timem:s10], [sflag:s23] =	dma.local [hbm:s8], s21  }
0xa1: {  	_ =	swait.ge [sflag:s23], s21  }
0xa2: {  	s7 =	ssub.s32 $0x0, s21;
	[sflag:s23] =	ssyncset.done $0x0  }
0xa3: {  	[sflag:s23] =	ssyncadd.s32 s7;
	_ =	sdelay $0x1  }
0xa4: {  	s24 =	simm.s32 $0x1B8B  }
0xa5: {  	_ =	swait.ge [sflag:s24], $0x1  }
0xa6: {  	[sflag:s24] =	ssyncset.done $0x0  }
0xa7: {  	s25 =	simm.s32 $0x1B8E;
	[sflag:s24] =	ssyncadd.s32 $0xFFFFFFFF  }
0xa8: {  	s26 =	simm.s32 $execute0_lowered;
	[smem:$0x3FD2] =	sst s25  }
0xa9: {  	s7 =	sshll.u32 s26, $0x1;
	_ =	strace $0x80000046;
	[dreg:$0x1] =	wrdreg $0xFFFFFFFF  }
0xaa: {  	s28 =	simm.s32 $_size_execute0_lowered;
	s6 =	sadd.s32 s6, s7;
	[dreg:$0x0] =	wrdreg $0x0  }
0xab: {  	s7 =	sshll.u32 s28, $0x1;
	[dreg:$0x2] =	wrdreg s6  }
0xac: {  	[dreg:$0x3] =	wrdreg s7  }
0xad: {  	[dreg:$0x4] =	wrdreg $0xC0  }
0xae: {  	_ =	task [dreg:s10], $0x5FFFF  }
0xaf: {  	[dreg:$0x1] =	wrdreg $0xFFFFFFFF  }
0xb0: {  	[dreg:$0x0] =	wrdreg $0x60  }
0xb1: {  	[dreg:$0x2] =	wrdreg s2  }
0xb2: {  	[dreg:$0x3] =	wrdreg s19  }
0xb3: {  	[dreg:$0x4] =	wrdreg s4  }
0xb4: {  	[dreg:$0x5] =	wrdreg s5  }
0xb5: {  	[dreg:$0x6] =	wrdreg $0xC3000  }
0xb6: {  	[dreg:$0x7] =	wrdreg $0x9  }
0xb7: {  	_ =	task.clear_ibuf [dreg:s10], $0x8FFFF;
	_ =	strace $0x90000046  }
0xb8: {  	s29 =	simm.s32 $0x9;
	_ =	strace $0x80000048  }
0xb9: {  	_ =	swait.ge [sflag:s29], $0x1  }
0xba: {  	[sflag:s29] =	ssyncadd.s32 $0xFFFFFFFF  }
0xbb: {  	_ =	strace $0x90000048  }
0xbc: {  	_ =	sfence  }
0xbd: {  	s30 =	sld [smem:$0x0];
	_ =	sdelay $0x2  }
0xbe: {  	s31 =	sshll.u32 s1, $0xD;
	s1 =	sshrl.u32 s1, $0x2  }
0xbf: {  	s3 =	sand.u32 $0x4000, s31;
	s1 =	sadd.s32 s1, s30  }
0xc0: {  	s0 =	sor.u32 s3, s0;
	s1 =	sshll.u32 s1, $0x11  }
0xc1: {  	s0 =	sor.u32 s1, s0  }
0xc2: {  	s0 =	sadd.s32 $0x8F2B, s0  }
0xc3: {  	[sflag:s0] =	ssyncadd.remote.s32 $0x1  }
0xc4: {  	_ =	sfence.sel $0xFFFF  }
0xc5: {  	[dreg:$0x0] =	wrdreg $0xFFFFFFFF;
	(pc) =	sbr.abs _section_cstart, $3  }
0xc6: {  	[dreg:$0x1] =	wrdreg $0xFFFFFFFF  }
0xc7: {  	_ =	task.clear_ibuf [dreg:s10], $0x2FFFF;
	_ =	strace $0x9FFFFFFF  }
0xc8: {  	(tm) =	ssettm $0x7FFFFFFF  }
0xc9: {  	_ =	shalt  }
tec
execute0_lowered:
.L_overlay_start_1:
0x0: {  	(tag) =	ssettag $0x1  }
0x1: {  	s0 =	rddreg [dreg:$0x0]  }
0x2: {  	s1 =	rddreg [dreg:$0x1]  }
0x3: {  	s2 =	rddreg [dreg:$0x2]  }
0x4: {  	s3 =	rddreg [dreg:$0x3]  }
0x5: {  	s5 =	rddreg [dreg:$0x4];
	s6 =	simm.s32 $0x0;
	s11 =	stileid.u32  }
0x6: {  	s4 =	srdreg.scid;
	s28 =	simm.s32 $0x40;
	s29 =	simm.s32 $0x200  }
0x7: {  	s30 =	simm.s32 $0x2200;
	s31 =	simm.s32 $0x4;
	s13 =	simm.s32 $0x5  }
0x8: {  	s14 =	simm.s32 $0x6;
	[smem:$0x7FF] =	sst s6;
	s7 =	smul.u32 $0x280, s11  }
0x9: {  	s4 =	sand.u32 $0x1, s4;
	s8 =	sshll.u32 s11, $0x1;
	s17 =	sshll.u32 s11, $0x6  }
0xa: {  	s11 =	simm.s32 $0x8280;
	_ =	strace $0x80000047;
	s9 =	ssub.s32 $0x2, s4  }
0xb: {  	s4 =	sor.u32 s4, s8;
	s15 =	smin.u32 s7, $0x2490;
	s10 =	sshrl.u32 s9, $0x1  }
0xc: {  	s7 =	smul.u32 $0x2710, s4;
	s16 =	sshll.u32 s15, $0x7;
	s8 =	sshll.u32 s15, $0x4  }
0xd: {  	s10 =	ssub.s32 s9, s10;
	s4 =	sadd.s32 s16, s5;
	s0 =	sadd.s32 s0, s8  }
0xe: {  	s9 =	sadd.s32 $0x40, s7;
	s25 =	smax.u32 s10, $0x1;
	[dreg:$0x6] =	wrdreg s0  }
0xf: {  	s18 =	sshrl.u32 s7, $0x3;
	s0 =	sor.u32 $0x1C07, s17;
	[dreg:$0xf] =	wrdreg s25  }
0x10: {  	s15 =	sadd.s32 $0x80, s7;
	s20 =	sadd.s32 s1, s18;
	[dreg:$0x7] =	wrdreg s0  }
0x11: {  	s16 =	sadd.s32 $0xC0, s7;
	s21 =	sadd.s32 s2, s18;
	[dreg:$0x8] =	wrdreg s20  }
0x12: {  	s19 =	sshrl.u32 s9, $0x3;
	s26 =	sshrl.u32 s4, $0x3;
	[dreg:$0x9] =	wrdreg s21  }
0x13: {  	s10 =	simm.s32 $0x8200;
	s22 =	sadd.s32 s1, s19;
	[dreg:$0x10] =	wrdreg s26  }
0x14: {  	s8 =	sadd.s32 s2, s19;
	s0 =	sadd.s32 $0x4E0, s18;
	[dreg:$0xa] =	wrdreg s22  }
0x15: {  	s25 =	simm.s32 $0x180;
	[dreg:$0xb] =	wrdreg s8;
	s23 =	sadd.s32 s1, s0  }
0x16: {  	s4 =	simm.s32 $0x6200;
	s24 =	sadd.s32 s2, s0;
	[dreg:$0xc] =	wrdreg s23  }
0x17: {  	s17 =	simm.s32 $0x0;
	s0 =	sadd.s32 s3, s0;
	[dreg:$0xd] =	wrdreg s24  }
0x18: {  	v0 =	vlaneseq.u32;
	s26 =	simm.s32 $0x3;
	s8 =	simm.s32 $0x1;
	[dreg:$0xe] =	wrdreg s0  }
0x19: {  	v1 =	vmul.u32 $0x80, v0;
	s23 =	simm.s32 $0x80;
	s24 =	simm.s32 $0x100;
	s0 =	simm.s32 $0x4200  }
.LBB2_1:
0x1a: {  	s12 =	rddreg [dreg:$0x6]  }
0x1b: {  	s18 =	rddreg [dreg:$0x7]  }
0x1c: {  	s19 =	rddreg [dreg:$0x10];
	s22 =	simm.s32 $0x7  }
0x1d: {  	[spmem:s19], [sflag:s18] =	dma.local [hbm:s12], $0x2800  }
0x1e: {  	_ =	swait.ge [sflag:s22], $0x2800  }
0x1f: {  	v2 =	vadd.s32 s6, v0;
	[sflag:s22] =	ssyncset.done $0x0  }
0x20: {  	v2 =	vand.u32 $0x7F, v2;
	[sflag:s22] =	ssyncadd.s32 $0xFFFFD800  }
0x21: {  	s12 =	simm.s32 $0x8300;
	v2 =	vor.u32 v1, v2;
	[bflag:$0x0] =	sbarrier.arrive $0xFFFF  }
0x22: {  	s18 =	simm.s32 $0x1;
	[tilespmem:s12+$0x0] =	vst v2  }
.LBB2_2:
0x23: {  	p0 =	sne.s32 s18, $0x7F  }
.Ltmp0:
0x24: {  	_ = 	snop;
	(pc) =	sbr.rel @p0 .LBB2_2-.Ltmp0, $4  }
0x25: {  	v2 =	vadd.s32 s18, v0  }
0x26: {  	v2 =	vand.u32 $0x7F, v2  }
0x27: {  	s12 =	sadd.s32 $0x80, s12;
	v2 =	vor.u32 v1, v2  }
0x28: {  	s18 =	sadd.s32 $0x1, s18;
	[tilespmem:s12+$0x0] =	vst v2  }
0x29: {  	s18 =	simm.s32 $0x0;
	s12 =	rddreg [dreg:$0x8]  }
0x2a: {  	[tilespmem:s18], [sflag:$0x3] =	stream.linear.gather [hbm4b:s12+s18], $0x40, $0x38;
	[tilespmem:$0x1FB80] =	vst v63  }
0x2b: {  	s20 =	rddreg [dreg:$0x9]  }
0x2c: {  	[tilespmem:s23], [sflag:$0x3] =	stream.linear.gather [hbm4b:s20+s18], $0x40, $0x38;
	[tilespmem:$0x1FB80] =	vst v63  }
0x2d: {  	s21 =	rddreg [dreg:$0xa]  }
0x2e: {  	[tilespmem:s24], [sflag:$0x4] =	stream.linear.gather [hbm4b:s21+s18], $0x40, $0x38;
	[tilespmem:$0x1FB80] =	vst v63  }
0x2f: {  	s22 =	rddreg [dreg:$0xb]  }
0x30: {  	[tilespmem:s25], [sflag:$0x4] =	stream.linear.gather [hbm4b:s22+s18], $0x40, $0x38;
	[tilespmem:$0x1FB80] =	vst v63  }
0x31: {  	_ =	swait.ge [sflag:s26], $0x40  }
0x32: {  	[sflag:s26] =	ssyncset.done $0x0  }
0x33: {  	[sflag:s26] =	ssyncadd.s32 $0xFFFFFFC0  }
0x34: {  	_ =	swait.ge [sflag:s26], $0x40  }
0x35: {  	[sflag:s26] =	ssyncset.done $0x0  }
0x36: {  	[sflag:s26] =	ssyncadd.s32 $0xFFFFFFC0  }
0x37: {  	[tilespmem:s29], [sflag:$0x1] =	stream.indirect.gather [spmem:s5], $0x80, s18, s28, $0xb8;
	[tilespmem:$0x1FB80] =	vst v63  }
0x38: {  	_ = 	snop  }
0x39: {  	[tilespmem:s30], [sflag:$0x1] =	stream.indirect.gather [spmem:s5], $0x80, s23, s28, $0xb8;
	[tilespmem:$0x1FB80] =	vst v63  }
.LBB2_4:
0x3a: {  	_ =	swait.ge [sflag:s31], $0x40  }
0x3b: {  	[sflag:s31] =	ssyncset.done $0x0  }
0x3c: {  	[sflag:s31] =	ssyncadd.s32 $0xFFFFFFC0  }
0x3d: {  	_ =	swait.ge [sflag:s31], $0x40  }
0x3e: {  	[sflag:s31] =	ssyncset.done $0x0  }
0x3f: {  	[sflag:s31] =	ssyncadd.s32 $0xFFFFFFC0  }
0x40: {  	[tilespmem:s0], [sflag:$0x2] =	stream.indirect.gather [spmem:s5], $0x80, s24, s28, $0xb8;
	[tilespmem:$0x1FB80] =	vst v63  }
0x41: {  	_ = 	snop  }
0x42: {  	[tilespmem:s4], [sflag:$0x2] =	stream.indirect.gather [spmem:s5], $0x80, s25, s28, $0xb8;
	[tilespmem:$0x1FB80] =	vst v63  }
0x43: {  	_ =	swait.ge [sflag:s8], $0x2000  }
0x44: {  	p0 =	seq.s32 s18, $0x4D;
	[sflag:s8] =	ssyncset.done $0x0  }
0x45: {  	s12 =	sshll.u32 s18, $0x7;
	p1 =	seq.s32 @!p0 s18, $0x0;
	[sflag:s8] =	ssyncadd.s32 $0xFFFFE000  }
0x46: {  	s19 =	sadd.s32 @!p0 s12, s15;
	p1 =	por p0, !p1;
	_ =	swait.ge [sflag:s8], $0x2000  }
.Ltmp1:
0x47: {  	s19 =	sshrl.u32 @!p0 s19, $0x3;
	[sflag:s8] =	ssyncset.done $0x0;
	(pc) =	sbr.rel @!p1 .LBB2_5-.Ltmp1, $4  }
0x48: {  	s21 =	simm.s32 @!p0 $0x0;
	s20 =	sadd.s32 @!p0 s1, s19;
	[sflag:s8] =	ssyncadd.s32 $0xFFFFE000  }
0x49: {  	[tilespmem:s21], [sflag:$0x3] =	stream.linear.gather @!p0 [hbm4b:s20+s21], $0x40, $0x38;
	[tilespmem:$0x1FB80] =	vst v63  }
0x4a: {  	s19 =	sadd.s32 @!p0 s2, s19;
	s20 =	simm.s32 @!p0 $0x80  }
0x4b: {  	[tilespmem:s20], [sflag:$0x3] =	stream.linear.gather @!p0 [hbm4b:s19+s21], $0x40, $0x38;
	[tilespmem:$0x1FB80] =	vst v63  }
.Ltmp2:
0x4c: {  	(pc) =	sbr.rel .LBB2_7-.Ltmp2, $4  }
0x4d: {  	_ = 	snop  }
0x4e: {  	_ =	swait.ge [sflag:s13], $0x40  }
0x4f: {  	[sflag:s13] =	ssyncset.done $0x0  }
0x50: {  	p1 =	por $0x0, $0x0;
	[sflag:s13] =	ssyncadd.s32 $0xFFFFFFC0  }
.LBB2_5:
0x51: {  	p1 =	por @!p0 $0x1, $0x1  }
.LBB2_7:
0x52: {  	s19 =	simm.s32 $0x0  }
0x53: {  	v2 =	vld [tilespmem:s19+$0x8680]  }
0x54: {  	v3 =	vld [tilespmem:s19+$0x8600]  }
0x55: {  	v4 =	vld [tilespmem:s19+$0x8580]  }
0x56: {  	v7 =	vld [tilespmem:s19+$0x8500]  }
0x57: {  	v8 =	vld [tilespmem:s19+$0x8480]  }
0x58: {  	v12 =	vld [tilespmem:s19+$0x8400]  }
0x59: {  	v15 =	vld [tilespmem:s19+$0x8380]  }
0x5a: {  	v17 =	vld [tilespmem:s19+$0x8300]  }
0x5b: {  	v19 =	vld.idx.msk [tilespmem:v2+s29+$0x0], $0xffff  }
0x5c: {  	v21 =	vld.idx.msk [tilespmem:v2+s30+$0x0], $0xffff  }
0x5d: {  	v23 =	vld.idx.msk [tilespmem:v3+s29+$0x0], $0xffff  }
0x5e: {  	v25 =	vld.idx.msk [tilespmem:v3+s30+$0x0], $0xffff  }
0x5f: {  	v26 =	vld.idx.msk [tilespmem:v4+s29+$0x0], $0xffff  }
0x60: {  	v27 =	vld.idx.msk [tilespmem:v4+s30+$0x0], $0xffff  }
0x61: {  	v30 =	vld.idx.msk [tilespmem:v7+s29+$0x0], $0xffff  }
0x62: {  	v31 =	vld.idx.msk [tilespmem:v7+s30+$0x0], $0xffff  }
0x63: {  	v33 =	vld.idx.msk [tilespmem:v8+s29+$0x0], $0xffff  }
0x64: {  	v35 =	vld.idx.msk [tilespmem:v8+s30+$0x0], $0xffff  }
0x65: {  	v38 =	vld.idx.msk [tilespmem:v12+s29+$0x0], $0xffff  }
0x66: {  	v5 =	vadd.s32 $0x800, v2;
	v39 =	vld.idx.msk [tilespmem:v12+s30+$0x0], $0xffff  }
0x67: {  	v40 =	vld.idx.msk [tilespmem:v15+s29+$0x0], $0xffff  }
0x68: {  	v6 =	vadd.s32 $0x1000, v2;
	v42 =	vld.idx.msk [tilespmem:v15+s30+$0x0], $0xffff  }
0x69: {  	v44 =	vld.idx.msk [tilespmem:v17+s29+$0x0], $0xffff  }
0x6a: {  	v9 =	vadd.s32 $0x800, v3;
	v45 =	vld.idx.msk [tilespmem:v17+s30+$0x0], $0xffff  }
0x6b: {  	v24 =	vld.idx.msk [tilespmem:v5+s29+$0x0], $0xffff  }
0x6c: {  	v10 =	vadd.s32 $0x1000, v3;
	v28 =	vld.idx.msk [tilespmem:v5+s30+$0x0], $0xffff  }
0x6d: {  	v5 =	vld.idx.msk [tilespmem:v6+s29+$0x0], $0xffff  }
0x6e: {  	v11 =	vadd.s32 $0x800, v4;
	v6 =	vld.idx.msk [tilespmem:v6+s30+$0x0], $0xffff  }
0x6f: {  	v34 =	vld.idx.msk [tilespmem:v9+s29+$0x0], $0xffff  }
0x70: {  	v14 =	vadd.s32 $0x1000, v4;
	v37 =	vld.idx.msk [tilespmem:v9+s30+$0x0], $0xffff  }
0x71: {  	v9 =	vld.idx.msk [tilespmem:v10+s29+$0x0], $0xffff  }
0x72: {  	v16 =	vadd.s32 $0x800, v7;
	v10 =	vld.idx.msk [tilespmem:v10+s30+$0x0], $0xffff  }
0x73: {  	v41 =	vld.idx.msk [tilespmem:v11+s29+$0x0], $0xffff  }
0x74: {  	v20 =	vadd.s32 $0x1000, v7;
	v43 =	vld.idx.msk [tilespmem:v11+s30+$0x0], $0xffff  }
0x75: {  	v13 =	vld.idx.msk [tilespmem:v14+s29+$0x0], $0xffff  }
0x76: {  	v22 =	vadd.s32 $0x1000, v8;
	v14 =	vld.idx.msk [tilespmem:v14+s30+$0x0], $0xffff  }
0x77: {  	v47 =	vld.idx.msk [tilespmem:v16+s29+$0x0], $0xffff  }
0x78: {  	v53 =	vadd.s32 $0x1000, v12;
	v48 =	vld.idx.msk [tilespmem:v16+s30+$0x0], $0xffff  }
0x79: {  	v11 =	vadd.s32 $0x800, v8;
	v18 =	vld.idx.msk [tilespmem:v20+s29+$0x0], $0xffff  }
0x7a: {  	v20 =	vld.idx.msk [tilespmem:v20+s30+$0x0], $0xffff  }
0x7b: {  	v16 =	vadd.s32 $0x800, v12;
	v32 =	vld.idx.msk [tilespmem:v22+s29+$0x0], $0xffff  }
0x7c: {  	v36 =	vld.idx.msk [tilespmem:v22+s30+$0x0], $0xffff  }
0x7d: {  	v46 =	vld.idx.msk [tilespmem:v53+s29+$0x0], $0xffff  }
0x7e: {  	v55 =	vadd.s32 $0x800, v15;
	v49 =	vld.idx.msk [tilespmem:v11+s29+$0x0], $0xffff  }
0x7f: {  	v50 =	vld.idx.msk [tilespmem:v11+s30+$0x0], $0xffff  }
0x80: {  	v29 =	vimm.f32 $0.0e+00;
	v54 =	vadd.s32 $0x1000, v15;
	v51 =	vld.idx.msk [tilespmem:v16+s29+$0x0], $0xffff  }
0x81: {  	s19 =	simm.s32 $0x1000;
	v22 =	vimm.f32 $0.0e+00;
	v52 =	vld.idx.msk [tilespmem:v16+s30+$0x0], $0xffff;
	v16 =	vimm.f32 $0.0e+00;
	v11 =	vimm.f32 $0.0e+00  }
.LBB2_8:
0x82: {  	p2 =	sne.s32 s19, $0xF000;
	v56 =	vadd.s32 $0x800, v17;
	v53 =	vld.idx.msk [tilespmem:v53+s30+$0x0], $0xffff  }
0x83: {  	v57 =	vld.idx.msk [tilespmem:v55+s29+$0x0], $0xffff  }
0x84: {  	v58 =	vadd.s32 $0x1000, v17;
	v55 =	vld.idx.msk [tilespmem:v55+s30+$0x0], $0xffff  }
0x85: {  	v59 =	vld.idx.msk [tilespmem:v54+s29+$0x0], $0xffff  }
0x86: {  	v17 =	vadd.s32 $0x1800, v17;
	v54 =	vld.idx.msk [tilespmem:v54+s30+$0x0], $0xffff  }
0x87: {  	v60 =	vld.idx.msk [tilespmem:v56+s29+$0x0], $0xffff  }
0x88: {  	v15 =	vadd.s32 $0x1800, v15;
	v56 =	vld.idx.msk [tilespmem:v56+s30+$0x0], $0xffff  }
0x89: {  	v61 =	vld.idx.msk [tilespmem:v58+s29+$0x0], $0xffff  }
0x8a: {  	v12 =	vadd.s32 $0x1800, v12;
	v23 =	vmul.f32 v25, v23;
	v19 =	vmul.f32 v21, v19;
	v58 =	vld.idx.msk [tilespmem:v58+s30+$0x0], $0xffff  }
0x8b: {  	v25 =	vmul.f32 v31, v30;
	v26 =	vmul.f32 v27, v26;
	v21 =	vld.idx.msk [tilespmem:v17+s29+$0x0], $0xffff  }
0x8c: {  	v27 =	vmul.f32 v39, v38;
	v30 =	vmul.f32 v35, v33;
	v8 =	vadd.s32 $0x1800, v8;
	v17 =	vld.idx.msk [tilespmem:v17+s30+$0x0], $0xffff  }
0x8d: {  	v31 =	vmul.f32 v45, v44;
	v33 =	vmul.f32 v42, v40;
	v35 =	vld.idx.msk [tilespmem:v15+s29+$0x0], $0xffff  }
0x8e: {  	v7 =	vadd.s32 $0x1800, v7;
	v34 =	vmul.f32 v37, v34;
	v24 =	vmul.f32 v28, v24;
	v15 =	vld.idx.msk [tilespmem:v15+s30+$0x0], $0xffff  }
0x8f: {  	v37 =	vmul.f32 v48, v47;
	v38 =	vmul.f32 v43, v41;
	v28 =	vld.idx.msk [tilespmem:v12+s29+$0x0], $0xffff  }
0x90: {  	v40 =	vmul.f32 v50, v49;
	v4 =	vadd.s32 $0x1800, v4;
	v39 =	vmul.f32 v52, v51;
	v12 =	vld.idx.msk [tilespmem:v12+s30+$0x0], $0xffff  }
0x91: {  	v2 =	vadd.s32 $0x1800, v2;
	v42 =	vmul.f32 v55, v57;
	v41 =	vmul.f32 v56, v60;
	v43 =	vld.idx.msk [tilespmem:v8+s29+$0x0], $0xffff  }
0x92: {  	v3 =	vadd.s32 $0x1800, v3;
	v44 =	vmul.f32 v58, v61;
	v17 =	vmul.f32 v17, v21;
	v8 =	vld.idx.msk [tilespmem:v8+s30+$0x0], $0xffff  }
0x93: {  	v22 =	vadd.f32 v41, v22;
	v21 =	vadd.f32 v31, v29;
	v29 =	vmul.f32 v54, v59;
	v31 =	vld.idx.msk [tilespmem:v7+s29+$0x0], $0xffff  }
0x94: {  	v16 =	vadd.f32 v44, v16;
	v11 =	vadd.f32 v17, v11;
	v15 =	vmul.f32 v15, v35;
	v7 =	vld.idx.msk [tilespmem:v7+s30+$0x0], $0xffff  }
0x95: {  	v17 =	vadd.f32 v33, v21;
	v21 =	vadd.f32 v42, v22;
	v22 =	vmul.f32 v53, v46;
	v33 =	vld.idx.msk [tilespmem:v4+s29+$0x0], $0xffff  }
0x96: {  	v16 =	vadd.f32 v29, v16;
	v11 =	vadd.f32 v15, v11;
	v12 =	vmul.f32 v12, v28;
	v4 =	vld.idx.msk [tilespmem:v4+s30+$0x0], $0xffff  }
0x97: {  	v15 =	vadd.f32 v27, v17;
	v17 =	vadd.f32 v39, v21;
	v21 =	vmul.f32 v36, v32;
	v27 =	vld.idx.msk [tilespmem:v3+s29+$0x0], $0xffff  }
0x98: {  	v16 =	vadd.f32 v22, v16;
	v11 =	vadd.f32 v12, v11;
	v8 =	vmul.f32 v8, v43;
	v12 =	vld.idx.msk [tilespmem:v3+s30+$0x0], $0xffff  }
0x99: {  	v3 =	vadd.f32 v30, v15;
	v15 =	vadd.f32 v40, v17;
	v17 =	vmul.f32 v20, v18;
	v18 =	vld.idx.msk [tilespmem:v2+s29+$0x0], $0xffff  }
0x9a: {  	s20 =	sshra.s32 s19, $0x2;
	v16 =	vadd.f32 v21, v16;
	v8 =	vadd.f32 v8, v11;
	v7 =	vmul.f32 v7, v31;
	v11 =	vld.idx.msk [tilespmem:v2+s30+$0x0], $0xffff  }
0x9b: {  	v13 =	vmul.f32 v14, v13;
	v20 =	vadd.f32 v25, v3;
	v15 =	vadd.f32 v37, v15;
	v2 =	vld [tilespmem:s20+$0x8680]  }
0x9c: {  	v14 =	vadd.f32 v17, v16;
	v8 =	vadd.f32 v7, v8;
	v16 =	vmul.f32 v4, v33;
	v3 =	vld [tilespmem:s20+$0x8600]  }
0x9d: {  	v9 =	vmul.f32 v10, v9;
	v17 =	vadd.f32 v26, v20;
	v15 =	vadd.f32 v38, v15;
	v4 =	vld [tilespmem:s20+$0x8580]  }
0x9e: {  	v10 =	vadd.f32 v13, v14;
	v13 =	vadd.f32 v16, v8;
	v14 =	vmul.f32 v12, v27;
	v7 =	vld [tilespmem:s20+$0x8500]  }
0x9f: {  	v5 =	vmul.f32 v6, v5;
	v16 =	vadd.f32 v23, v17;
	v17 =	vadd.f32 v34, v15;
	v8 =	vld [tilespmem:s20+$0x8480]  }
0xa0: {  	v6 =	vadd.f32 v9, v10;
	v9 =	vadd.f32 v14, v13;
	v10 =	vmul.f32 v11, v18;
	v12 =	vld [tilespmem:s20+$0x8400]  }
0xa1: {  	v29 =	vadd.f32 v19, v16;
	v22 =	vadd.f32 v24, v17;
	v15 =	vld [tilespmem:s20+$0x8380]  }
0xa2: {  	v16 =	vadd.f32 v5, v6;
	v11 =	vadd.f32 v10, v9;
	v17 =	vld [tilespmem:s20+$0x8300]  }
0xa3: {  	v19 =	vld.idx.msk [tilespmem:v2+s29+$0x0], $0xffff  }
0xa4: {  	v21 =	vld.idx.msk [tilespmem:v2+s30+$0x0], $0xffff  }
0xa5: {  	v23 =	vld.idx.msk [tilespmem:v3+s29+$0x0], $0xffff  }
0xa6: {  	v25 =	vld.idx.msk [tilespmem:v3+s30+$0x0], $0xffff  }
0xa7: {  	v26 =	vld.idx.msk [tilespmem:v4+s29+$0x0], $0xffff  }
0xa8: {  	v27 =	vld.idx.msk [tilespmem:v4+s30+$0x0], $0xffff  }
0xa9: {  	v30 =	vld.idx.msk [tilespmem:v7+s29+$0x0], $0xffff  }
0xaa: {  	v31 =	vld.idx.msk [tilespmem:v7+s30+$0x0], $0xffff  }
0xab: {  	v33 =	vld.idx.msk [tilespmem:v8+s29+$0x0], $0xffff  }
0xac: {  	v35 =	vld.idx.msk [tilespmem:v8+s30+$0x0], $0xffff  }
0xad: {  	v38 =	vld.idx.msk [tilespmem:v12+s29+$0x0], $0xffff  }
0xae: {  	v5 =	vadd.s32 $0x800, v2;
	v39 =	vld.idx.msk [tilespmem:v12+s30+$0x0], $0xffff  }
0xaf: {  	v40 =	vld.idx.msk [tilespmem:v15+s29+$0x0], $0xffff  }
0xb0: {  	v6 =	vadd.s32 $0x1000, v2;
	v42 =	vld.idx.msk [tilespmem:v15+s30+$0x0], $0xffff  }
0xb1: {  	v44 =	vld.idx.msk [tilespmem:v17+s29+$0x0], $0xffff  }
0xb2: {  	v9 =	vadd.s32 $0x800, v3;
	v45 =	vld.idx.msk [tilespmem:v17+s30+$0x0], $0xffff  }
0xb3: {  	v24 =	vld.idx.msk [tilespmem:v5+s29+$0x0], $0xffff  }
0xb4: {  	v10 =	vadd.s32 $0x1000, v3;
	v28 =	vld.idx.msk [tilespmem:v5+s30+$0x0], $0xffff  }
0xb5: {  	v5 =	vld.idx.msk [tilespmem:v6+s29+$0x0], $0xffff  }
0xb6: {  	v13 =	vadd.s32 $0x800, v4;
	v6 =	vld.idx.msk [tilespmem:v6+s30+$0x0], $0xffff  }
0xb7: {  	v34 =	vld.idx.msk [tilespmem:v9+s29+$0x0], $0xffff  }
0xb8: {  	v14 =	vadd.s32 $0x1000, v4;
	v37 =	vld.idx.msk [tilespmem:v9+s30+$0x0], $0xffff  }
0xb9: {  	v9 =	vld.idx.msk [tilespmem:v10+s29+$0x0], $0xffff  }
0xba: {  	v18 =	vadd.s32 $0x800, v7;
	v10 =	vld.idx.msk [tilespmem:v10+s30+$0x0], $0xffff  }
0xbb: {  	v41 =	vld.idx.msk [tilespmem:v13+s29+$0x0], $0xffff  }
0xbc: {  	v20 =	vadd.s32 $0x1000, v7;
	v43 =	vld.idx.msk [tilespmem:v13+s30+$0x0], $0xffff  }
0xbd: {  	v13 =	vld.idx.msk [tilespmem:v14+s29+$0x0], $0xffff  }
0xbe: {  	v32 =	vadd.s32 $0x800, v8;
	v14 =	vld.idx.msk [tilespmem:v14+s30+$0x0], $0xffff  }
0xbf: {  	v47 =	vld.idx.msk [tilespmem:v18+s29+$0x0], $0xffff  }
0xc0: {  	v36 =	vadd.s32 $0x1000, v8;
	v48 =	vld.idx.msk [tilespmem:v18+s30+$0x0], $0xffff  }
0xc1: {  	v18 =	vld.idx.msk [tilespmem:v20+s29+$0x0], $0xffff  }
0xc2: {  	v46 =	vadd.s32 $0x800, v12;
	v20 =	vld.idx.msk [tilespmem:v20+s30+$0x0], $0xffff  }
0xc3: {  	v49 =	vld.idx.msk [tilespmem:v32+s29+$0x0], $0xffff  }
0xc4: {  	v53 =	vadd.s32 $0x1000, v12;
	v50 =	vld.idx.msk [tilespmem:v32+s30+$0x0], $0xffff  }
.Ltmp3:
0xc5: {  	v32 =	vld.idx.msk [tilespmem:v36+s29+$0x0], $0xffff;
	(pc) =	sbr.rel @p2 .LBB2_8-.Ltmp3, $4  }
0xc6: {  	v55 =	vadd.s32 $0x800, v15;
	v36 =	vld.idx.msk [tilespmem:v36+s30+$0x0], $0xffff  }
0xc7: {  	v51 =	vld.idx.msk [tilespmem:v46+s29+$0x0], $0xffff  }
0xc8: {  	v54 =	vadd.s32 $0x1000, v15;
	v52 =	vld.idx.msk [tilespmem:v46+s30+$0x0], $0xffff  }
0xc9: {  	s19 =	sadd.s32 $0x1000, s19;
	v46 =	vld.idx.msk [tilespmem:v53+s29+$0x0], $0xffff  }
0xca: {  	v44 =	vmul.f32 v45, v44;
	_ =	sdelay $0x1  }
0xcb: {  	v60 =	vadd.s32 $0x800, v17;
	v40 =	vmul.f32 v42, v40;
	v29 =	vadd.f32 v44, v29;
	_ =	sdelay $0x1  }
0xcc: {  	v38 =	vmul.f32 v39, v38;
	v29 =	vadd.f32 v40, v29;
	_ =	sdelay $0x1  }
0xcd: {  	v33 =	vmul.f32 v35, v33;
	v29 =	vadd.f32 v38, v29  }
0xce: {  	v61 =	vld.idx.msk [tilespmem:v60+s29+$0x0], $0xffff  }
0xcf: {  	v30 =	vmul.f32 v31, v30;
	v62 =	vld.idx.msk [tilespmem:v60+s30+$0x0], $0xffff;
	v29 =	vadd.f32 v33, v29  }
0xd0: {  	v31 =	vld.idx.msk [tilespmem:v55+s29+$0x0], $0xffff  }
0xd1: {  	v63 =	vld.idx.msk [tilespmem:v55+s30+$0x0], $0xffff;
	v26 =	vmul.f32 v27, v26;
	v27 =	vadd.f32 v30, v29;
	_ =	sdelay $0x1  }
0xd2: {  	v23 =	vmul.f32 v25, v23;
	v25 =	vadd.f32 v26, v27  }
0xd3: {  	v26 =	vmul.f32 v62, v61  }
0xd4: {  	v19 =	vmul.f32 v21, v19;
	v21 =	vadd.f32 v23, v25;
	v23 =	vadd.s32 $0x1000, v17  }
0xd5: {  	v25 =	vmul.f32 v63, v31;
	v22 =	vadd.f32 v26, v22  }
0xd6: {  	v19 =	vadd.f32 v19, v21  }
0xd7: {  	v21 =	vmul.f32 v52, v51;
	v22 =	vadd.f32 v25, v22  }
0xd8: {  	v19 =	vsub.f32 $0.0e+00, v19  }
0xd9: {  	v25 =	vmul.f32 v50, v49;
	v21 =	vadd.f32 v21, v22;
	v22 =	vld.idx.msk [tilespmem:v23+s29+$0x0], $0xffff  }
0xda: {  	v23 =	vld.idx.msk [tilespmem:v23+s30+$0x0], $0xffff;
	v19 =	vmul.f32 $1.442695020e+00, v19  }
0xdb: {  	v26 =	vmul.f32 v48, v47;
	v21 =	vadd.f32 v25, v21;
	v25 =	vld.idx.msk [tilespmem:v54+s29+$0x0], $0xffff  }
0xdc: {  	(erf) = vpow2.f32 v19;
	v19 =	vld.idx.msk [tilespmem:v54+s30+$0x0], $0xffff  }
0xdd: {  	v27 =	vmul.f32 v43, v41;
	v21 =	vadd.f32 v26, v21;
	_ =	sdelay $0x1  }
0xde: {  	v29 =	vmul.f32 v37, v34;
	v26 =	vld.idx.msk [tilespmem:v53+s30+$0x0], $0xffff;
	v21 =	vadd.f32 v27, v21  }
0xdf: {  	v17 =	vadd.s32 $0x1800, v17;
	v22 =	vmul.f32 v23, v22  }
0xe0: {  	v23 =	vmul.f32 v28, v24;
	v21 =	vadd.f32 v29, v21;
	v19 =	vmul.f32 v19, v25  }
0xe1: {  	v16 =	vadd.f32 v22, v16  }
0xe2: {  	v15 =	vadd.s32 $0x1800, v15;
	v21 =	vadd.f32 v23, v21  }
0xe3: {  	v22 =	vmul.f32 v26, v46;
	v16 =	vadd.f32 v19, v16  }
0xe4: {  	v12 =	vadd.s32 $0x1800, v12;
	v21 =	vsub.f32 $0.0e+00, v21;
	v19 =	vpop (erf)  }
0xe5: {  	v23 =	vmul.f32 v36, v32;
	v16 =	vadd.f32 v22, v16;
	v22 =	vld.idx.msk [tilespmem:v17+s29+$0x0], $0xffff;
	v19 =	vadd.f32 $1.000000000e+00, v19  }
0xe6: {  	v8 =	vadd.s32 $0x1800, v8;
	v17 =	vld.idx.msk [tilespmem:v17+s30+$0x0], $0xffff;
	v21 =	vmul.f32 $1.442695020e+00, v21  }
0xe7: {  	v18 =	vmul.f32 v20, v18;
	v16 =	vadd.f32 v23, v16;
	(erf) = vrcp.f32 v19;
	v19 =	vld.idx.msk [tilespmem:v15+s29+$0x0], $0xffff  }
0xe8: {  	v7 =	vadd.s32 $0x1800, v7;
	v15 =	vld.idx.msk [tilespmem:v15+s30+$0x0], $0xffff;
	(erf) = vpow2.f32 v21  }
0xe9: {  	v13 =	vmul.f32 v14, v13;
	v14 =	vadd.f32 v18, v16;
	v16 =	vld.idx.msk [tilespmem:v12+s29+$0x0], $0xffff  }
0xea: {  	v4 =	vadd.s32 $0x1800, v4;
	v12 =	vld.idx.msk [tilespmem:v12+s30+$0x0], $0xffff  }
0xeb: {  	v9 =	vmul.f32 v10, v9;
	v10 =	vadd.f32 v13, v14;
	v13 =	vld.idx.msk [tilespmem:v8+s29+$0x0], $0xffff;
	v14 =	vmul.f32 v17, v22  }
0xec: {  	v3 =	vadd.s32 $0x1800, v3;
	v5 =	vmul.f32 v6, v5;
	v8 =	vld.idx.msk [tilespmem:v8+s30+$0x0], $0xffff  }
0xed: {  	v6 =	vadd.f32 v9, v10;
	v9 =	vld.idx.msk [tilespmem:v7+s29+$0x0], $0xffff;
	v10 =	vadd.f32 v14, v11;
	v11 =	vmul.f32 v15, v19  }
0xee: {  	v2 =	vadd.s32 $0x1800, v2;
	v7 =	vld.idx.msk [tilespmem:v7+s30+$0x0], $0xffff  }
0xef: {  	v5 =	vadd.f32 v5, v6;
	v6 =	vld.idx.msk [tilespmem:v4+s29+$0x0], $0xffff;
	v10 =	vadd.f32 v11, v10;
	v11 =	vmul.f32 v12, v16  }
0xf0: {  	v4 =	vld.idx.msk [tilespmem:v4+s30+$0x0], $0xffff;
	v12 =	vpop (erf)  }
0xf1: {  	v15 =	vld.idx.msk [tilespmem:v3+s29+$0x0], $0xffff;
	v8 =	vmul.f32 v8, v13;
	v5 =	vsub.f32 $0.0e+00, v5;
	v10 =	vadd.f32 v11, v10;
	v14 =	vpop (erf)  }
0xf2: {  	v3 =	vld.idx.msk [tilespmem:v3+s30+$0x0], $0xffff;
	v11 =	vadd.f32 $1.000000000e+00, v14  }
0xf3: {  	v7 =	vmul.f32 v7, v9;
	v5 =	vmul.f32 $1.442695020e+00, v5;
	v8 =	vadd.f32 v8, v10  }
0xf4: {  	v13 =	vld.idx.msk [tilespmem:v2+s29+$0x0], $0xffff;
	(erf) = vrcp.f32 v11  }
0xf5: {  	v2 =	vld.idx.msk [tilespmem:v2+s30+$0x0], $0xffff;
	v4 =	vmul.f32 v4, v6;
	(erf) = vpow2.f32 v5;
	v5 =	vadd.f32 v7, v8;
	_ =	sdelay $0x1  }
0xf6: {  	v3 =	vmul.f32 v3, v15;
	v4 =	vadd.f32 v4, v5;
	_ =	sdelay $0x1  }
0xf7: {  	v3 =	vadd.f32 v3, v4  }
0xf8: {  	v2 =	vmul.f32 v2, v13;
	_ =	sdelay $0x1  }
0xf9: {  	v2 =	vadd.f32 v2, v3  }
0xfa: {  	v3 =	vpop (erf)  }
0xfb: {  	v2 =	vsub.f32 $0.0e+00, v2;
	v4 =	vpop (erf)  }
0xfc: {  	v4 =	vadd.f32 $1.000000000e+00, v4  }
0xfd: {  	v2 =	vmul.f32 $1.442695020e+00, v2  }
0xfe: {  	(erf) = vrcp.f32 v4  }
0xff: {  	(erf) = vpow2.f32 v2;
	_ =	sdelay $0x7  }
0x100: {  	v2 =	vpop (erf)  }
0x101: {  	v4 =	vpop (erf)  }
0x102: {  	v4 =	vadd.f32 $1.000000000e+00, v4;
	_ =	sdelay $0x1  }
0x103: {  	(erf) = vrcp.f32 v4;
	_ =	sdelay $0x6  }
0x104: {  	[tilespmem:$0x8200] =	vst v12  }
0x105: {  	s19 =	sadd.s32 s7, s12;
	[tilespmem:$0x8210] =	vst v3  }
0x106: {  	s19 =	sshrl.u32 s19, $0x3;
	[tilespmem:$0x8220] =	vst v2;
	v2 =	vpop (erf)  }
0x107: {  	s19 =	sadd.s32 s3, s19;
	[tilespmem:$0x8230] =	vst v2  }
0x108: {  	[hbm4b:s19+s6] =	stream.linear.scatter [tilespmem:s10], [sflag:$0x5], $0x40, $0x38;
	[tilespmem:$0x1FB80] =	vst v63  }
0x109: {  	s19 =	simm.s32 @p0 $0x2  }
0x10a: {  	_ =	swait.ge @p0 [sflag:s19], $0x2000  }
0x10b: {  	[sflag:s19] =	ssyncset.done @p0 $0x0  }
0x10c: {  	[sflag:s19] =	ssyncadd.s32 @p0 $0xFFFFE000  }
0x10d: {  	_ =	swait.ge @p0 [sflag:s19], $0x2000  }
0x10e: {  	[sflag:s19] =	ssyncset.done @p0 $0x0  }
0x10f: {  	[sflag:s19] =	ssyncadd.s32 @p0 $0xFFFFE000;
	s19 =	simm.s32 @!p0 $0x3  }
0x110: {  	_ =	swait.ge @!p0 [sflag:s19], $0x40  }
0x111: {  	[sflag:s19] =	ssyncset.done @!p0 $0x0  }
0x112: {  	[sflag:s19] =	ssyncadd.s32 @!p0 $0xFFFFFFC0  }
0x113: {  	_ =	swait.ge @!p0 [sflag:s19], $0x40  }
0x114: {  	s20 =	simm.s32 @!p0 $0x0;
	[sflag:s19] =	ssyncset.done @!p0 $0x0  }
0x115: {  	s21 =	simm.s32 @!p0 $0x200;
	[sflag:s19] =	ssyncadd.s32 @!p0 $0xFFFFFFC0;
	s19 =	simm.s32 @!p0 $0x40  }
0x116: {  	[tilespmem:s21], [sflag:$0x1] =	stream.indirect.gather @!p0 [spmem:s5], $0x80, s20, s19, $0xb8;
	[tilespmem:$0x1FB80] =	vst v63  }
0x117: {  	s22 =	simm.s32 @!p0 $0x2200;
	s21 =	simm.s32 @!p0 $0x80  }
0x118: {  	[tilespmem:s22], [sflag:$0x1] =	stream.indirect.gather @!p0 [spmem:s5], $0x80, s21, s19, $0xb8;
	[tilespmem:$0x1FB80] =	vst v63  }
0x119: {  	s19 =	simm.s32 @!p0 $0x2  }
0x11a: {  	_ =	swait.ge @!p0 [sflag:s19], $0x2000  }
0x11b: {  	[sflag:s19] =	ssyncset.done @!p0 $0x0  }
0x11c: {  	[sflag:s19] =	ssyncadd.s32 @!p0 $0xFFFFE000  }
0x11d: {  	s21 =	sadd.s32 @!p0 s12, s16;
	_ =	swait.ge @!p0 [sflag:s19], $0x2000  }
0x11e: {  	s21 =	sshrl.u32 @!p0 s21, $0x3;
	[sflag:s19] =	ssyncset.done @!p0 $0x0  }
0x11f: {  	s22 =	simm.s32 @!p0 $0x100;
	[sflag:s19] =	ssyncadd.s32 @!p0 $0xFFFFE000;
	s19 =	sadd.s32 @!p0 s1, s21  }
0x120: {  	[tilespmem:s22], [sflag:$0x4] =	stream.linear.gather @!p0 [hbm4b:s19+s20], $0x40, $0x38;
	[tilespmem:$0x1FB80] =	vst v63  }
0x121: {  	s19 =	sadd.s32 @!p0 s2, s21;
	s21 =	simm.s32 @!p0 $0x180  }
0x122: {  	[tilespmem:s21], [sflag:$0x4] =	stream.linear.gather @!p0 [hbm4b:s19+s20], $0x40, $0x38;
	[tilespmem:$0x1FB80] =	vst v63  }
0x123: {  	s19 =	simm.s32 @!p1 $0x6  }
0x124: {  	_ =	swait.ge @!p1 [sflag:s19], $0x40  }
0x125: {  	[sflag:s19] =	ssyncset.done @!p1 $0x0  }
0x126: {  	s22 =	simm.s32 $0x0;
	[sflag:s19] =	ssyncadd.s32 @!p1 $0xFFFFFFC0  }
0x127: {  	v2 =	vld [tilespmem:s22+$0x8680]  }
0x128: {  	v3 =	vld [tilespmem:s22+$0x8600]  }
0x129: {  	v4 =	vld [tilespmem:s22+$0x8580]  }
0x12a: {  	v7 =	vld [tilespmem:s22+$0x8500]  }
0x12b: {  	v8 =	vld [tilespmem:s22+$0x8480]  }
0x12c: {  	v12 =	vld [tilespmem:s22+$0x8400]  }
0x12d: {  	v15 =	vld [tilespmem:s22+$0x8380]  }
0x12e: {  	v17 =	vld [tilespmem:s22+$0x8300]  }
0x12f: {  	v19 =	vld.idx.msk [tilespmem:v2+s0+$0x0], $0xffff  }
0x130: {  	v21 =	vld.idx.msk [tilespmem:v2+s4+$0x0], $0xffff  }
0x131: {  	v23 =	vld.idx.msk [tilespmem:v3+s0+$0x0], $0xffff  }
0x132: {  	v25 =	vld.idx.msk [tilespmem:v3+s4+$0x0], $0xffff  }
0x133: {  	v26 =	vld.idx.msk [tilespmem:v4+s0+$0x0], $0xffff  }
0x134: {  	v27 =	vld.idx.msk [tilespmem:v4+s4+$0x0], $0xffff  }
0x135: {  	v30 =	vld.idx.msk [tilespmem:v7+s0+$0x0], $0xffff  }
0x136: {  	v31 =	vld.idx.msk [tilespmem:v7+s4+$0x0], $0xffff  }
0x137: {  	v33 =	vld.idx.msk [tilespmem:v8+s0+$0x0], $0xffff  }
0x138: {  	v35 =	vld.idx.msk [tilespmem:v8+s4+$0x0], $0xffff  }
0x139: {  	v38 =	vld.idx.msk [tilespmem:v12+s0+$0x0], $0xffff  }
0x13a: {  	v5 =	vadd.s32 $0x800, v2;
	v39 =	vld.idx.msk [tilespmem:v12+s4+$0x0], $0xffff  }
0x13b: {  	v40 =	vld.idx.msk [tilespmem:v15+s0+$0x0], $0xffff  }
0x13c: {  	v6 =	vadd.s32 $0x1000, v2;
	v42 =	vld.idx.msk [tilespmem:v15+s4+$0x0], $0xffff  }
0x13d: {  	v44 =	vld.idx.msk [tilespmem:v17+s0+$0x0], $0xffff  }
0x13e: {  	v9 =	vadd.s32 $0x800, v3;
	v45 =	vld.idx.msk [tilespmem:v17+s4+$0x0], $0xffff  }
0x13f: {  	v24 =	vld.idx.msk [tilespmem:v5+s0+$0x0], $0xffff  }
0x140: {  	v10 =	vadd.s32 $0x1000, v3;
	v28 =	vld.idx.msk [tilespmem:v5+s4+$0x0], $0xffff  }
0x141: {  	v5 =	vld.idx.msk [tilespmem:v6+s0+$0x0], $0xffff  }
0x142: {  	v11 =	vadd.s32 $0x800, v4;
	v6 =	vld.idx.msk [tilespmem:v6+s4+$0x0], $0xffff  }
0x143: {  	v34 =	vld.idx.msk [tilespmem:v9+s0+$0x0], $0xffff  }
0x144: {  	v14 =	vadd.s32 $0x1000, v4;
	v37 =	vld.idx.msk [tilespmem:v9+s4+$0x0], $0xffff  }
0x145: {  	v9 =	vld.idx.msk [tilespmem:v10+s0+$0x0], $0xffff  }
0x146: {  	v16 =	vadd.s32 $0x800, v7;
	v10 =	vld.idx.msk [tilespmem:v10+s4+$0x0], $0xffff  }
0x147: {  	v41 =	vld.idx.msk [tilespmem:v11+s0+$0x0], $0xffff  }
0x148: {  	v20 =	vadd.s32 $0x1000, v7;
	v43 =	vld.idx.msk [tilespmem:v11+s4+$0x0], $0xffff  }
0x149: {  	v13 =	vld.idx.msk [tilespmem:v14+s0+$0x0], $0xffff  }
0x14a: {  	v22 =	vadd.s32 $0x1000, v8;
	v14 =	vld.idx.msk [tilespmem:v14+s4+$0x0], $0xffff  }
0x14b: {  	v47 =	vld.idx.msk [tilespmem:v16+s0+$0x0], $0xffff  }
0x14c: {  	v53 =	vadd.s32 $0x1000, v12;
	v48 =	vld.idx.msk [tilespmem:v16+s4+$0x0], $0xffff  }
0x14d: {  	v11 =	vadd.s32 $0x800, v8;
	v18 =	vld.idx.msk [tilespmem:v20+s0+$0x0], $0xffff  }
0x14e: {  	v20 =	vld.idx.msk [tilespmem:v20+s4+$0x0], $0xffff  }
0x14f: {  	v16 =	vadd.s32 $0x800, v12;
	v32 =	vld.idx.msk [tilespmem:v22+s0+$0x0], $0xffff  }
0x150: {  	v36 =	vld.idx.msk [tilespmem:v22+s4+$0x0], $0xffff  }
0x151: {  	v46 =	vld.idx.msk [tilespmem:v53+s0+$0x0], $0xffff  }
0x152: {  	v55 =	vadd.s32 $0x800, v15;
	v49 =	vld.idx.msk [tilespmem:v11+s0+$0x0], $0xffff  }
0x153: {  	v50 =	vld.idx.msk [tilespmem:v11+s4+$0x0], $0xffff  }
0x154: {  	v29 =	vimm.f32 $0.0e+00;
	v54 =	vadd.s32 $0x1000, v15;
	v51 =	vld.idx.msk [tilespmem:v16+s0+$0x0], $0xffff  }
0x155: {  	s19 =	simm.s32 $0x1000;
	v22 =	vimm.f32 $0.0e+00;
	v52 =	vld.idx.msk [tilespmem:v16+s4+$0x0], $0xffff;
	v16 =	vimm.f32 $0.0e+00;
	v11 =	vimm.f32 $0.0e+00  }
.LBB2_10:
0x156: {  	p0 =	sne.s32 s19, $0xF000;
	v56 =	vadd.s32 $0x800, v17;
	v53 =	vld.idx.msk [tilespmem:v53+s4+$0x0], $0xffff  }
0x157: {  	v57 =	vld.idx.msk [tilespmem:v55+s0+$0x0], $0xffff  }
0x158: {  	v58 =	vadd.s32 $0x1000, v17;
	v55 =	vld.idx.msk [tilespmem:v55+s4+$0x0], $0xffff  }
0x159: {  	v59 =	vld.idx.msk [tilespmem:v54+s0+$0x0], $0xffff  }
0x15a: {  	v17 =	vadd.s32 $0x1800, v17;
	v54 =	vld.idx.msk [tilespmem:v54+s4+$0x0], $0xffff  }
0x15b: {  	v60 =	vld.idx.msk [tilespmem:v56+s0+$0x0], $0xffff  }
0x15c: {  	v15 =	vadd.s32 $0x1800, v15;
	v56 =	vld.idx.msk [tilespmem:v56+s4+$0x0], $0xffff  }
0x15d: {  	v61 =	vld.idx.msk [tilespmem:v58+s0+$0x0], $0xffff  }
0x15e: {  	v12 =	vadd.s32 $0x1800, v12;
	v23 =	vmul.f32 v25, v23;
	v19 =	vmul.f32 v21, v19;
	v58 =	vld.idx.msk [tilespmem:v58+s4+$0x0], $0xffff  }
0x15f: {  	v25 =	vmul.f32 v31, v30;
	v26 =	vmul.f32 v27, v26;
	v21 =	vld.idx.msk [tilespmem:v17+s0+$0x0], $0xffff  }
0x160: {  	v27 =	vmul.f32 v39, v38;
	v30 =	vmul.f32 v35, v33;
	v8 =	vadd.s32 $0x1800, v8;
	v17 =	vld.idx.msk [tilespmem:v17+s4+$0x0], $0xffff  }
0x161: {  	v31 =	vmul.f32 v45, v44;
	v33 =	vmul.f32 v42, v40;
	v35 =	vld.idx.msk [tilespmem:v15+s0+$0x0], $0xffff  }
0x162: {  	v7 =	vadd.s32 $0x1800, v7;
	v34 =	vmul.f32 v37, v34;
	v24 =	vmul.f32 v28, v24;
	v15 =	vld.idx.msk [tilespmem:v15+s4+$0x0], $0xffff  }
0x163: {  	v37 =	vmul.f32 v48, v47;
	v38 =	vmul.f32 v43, v41;
	v28 =	vld.idx.msk [tilespmem:v12+s0+$0x0], $0xffff  }
0x164: {  	v40 =	vmul.f32 v50, v49;
	v4 =	vadd.s32 $0x1800, v4;
	v39 =	vmul.f32 v52, v51;
	v12 =	vld.idx.msk [tilespmem:v12+s4+$0x0], $0xffff  }
0x165: {  	v2 =	vadd.s32 $0x1800, v2;
	v42 =	vmul.f32 v55, v57;
	v41 =	vmul.f32 v56, v60;
	v43 =	vld.idx.msk [tilespmem:v8+s0+$0x0], $0xffff  }
0x166: {  	v3 =	vadd.s32 $0x1800, v3;
	v44 =	vmul.f32 v58, v61;
	v17 =	vmul.f32 v17, v21;
	v8 =	vld.idx.msk [tilespmem:v8+s4+$0x0], $0xffff  }
0x167: {  	v22 =	vadd.f32 v41, v22;
	v21 =	vadd.f32 v31, v29;
	v29 =	vmul.f32 v54, v59;
	v31 =	vld.idx.msk [tilespmem:v7+s0+$0x0], $0xffff  }
0x168: {  	v16 =	vadd.f32 v44, v16;
	v11 =	vadd.f32 v17, v11;
	v15 =	vmul.f32 v15, v35;
	v7 =	vld.idx.msk [tilespmem:v7+s4+$0x0], $0xffff  }
0x169: {  	v17 =	vadd.f32 v33, v21;
	v21 =	vadd.f32 v42, v22;
	v22 =	vmul.f32 v53, v46;
	v33 =	vld.idx.msk [tilespmem:v4+s0+$0x0], $0xffff  }
0x16a: {  	v16 =	vadd.f32 v29, v16;
	v11 =	vadd.f32 v15, v11;
	v12 =	vmul.f32 v12, v28;
	v4 =	vld.idx.msk [tilespmem:v4+s4+$0x0], $0xffff  }
0x16b: {  	v15 =	vadd.f32 v27, v17;
	v17 =	vadd.f32 v39, v21;
	v21 =	vmul.f32 v36, v32;
	v27 =	vld.idx.msk [tilespmem:v3+s0+$0x0], $0xffff  }
0x16c: {  	v16 =	vadd.f32 v22, v16;
	v11 =	vadd.f32 v12, v11;
	v8 =	vmul.f32 v8, v43;
	v12 =	vld.idx.msk [tilespmem:v3+s4+$0x0], $0xffff  }
0x16d: {  	v3 =	vadd.f32 v30, v15;
	v15 =	vadd.f32 v40, v17;
	v17 =	vmul.f32 v20, v18;
	v18 =	vld.idx.msk [tilespmem:v2+s0+$0x0], $0xffff  }
0x16e: {  	s20 =	sshra.s32 s19, $0x2;
	v16 =	vadd.f32 v21, v16;
	v8 =	vadd.f32 v8, v11;
	v7 =	vmul.f32 v7, v31;
	v11 =	vld.idx.msk [tilespmem:v2+s4+$0x0], $0xffff  }
0x16f: {  	v13 =	vmul.f32 v14, v13;
	v20 =	vadd.f32 v25, v3;
	v15 =	vadd.f32 v37, v15;
	v2 =	vld [tilespmem:s20+$0x8680]  }
0x170: {  	v14 =	vadd.f32 v17, v16;
	v8 =	vadd.f32 v7, v8;
	v16 =	vmul.f32 v4, v33;
	v3 =	vld [tilespmem:s20+$0x8600]  }
0x171: {  	v9 =	vmul.f32 v10, v9;
	v17 =	vadd.f32 v26, v20;
	v15 =	vadd.f32 v38, v15;
	v4 =	vld [tilespmem:s20+$0x8580]  }
0x172: {  	v10 =	vadd.f32 v13, v14;
	v13 =	vadd.f32 v16, v8;
	v14 =	vmul.f32 v12, v27;
	v7 =	vld [tilespmem:s20+$0x8500]  }
0x173: {  	v5 =	vmul.f32 v6, v5;
	v16 =	vadd.f32 v23, v17;
	v17 =	vadd.f32 v34, v15;
	v8 =	vld [tilespmem:s20+$0x8480]  }
0x174: {  	v6 =	vadd.f32 v9, v10;
	v9 =	vadd.f32 v14, v13;
	v10 =	vmul.f32 v11, v18;
	v12 =	vld [tilespmem:s20+$0x8400]  }
0x175: {  	v29 =	vadd.f32 v19, v16;
	v22 =	vadd.f32 v24, v17;
	v15 =	vld [tilespmem:s20+$0x8380]  }
0x176: {  	v16 =	vadd.f32 v5, v6;
	v11 =	vadd.f32 v10, v9;
	v17 =	vld [tilespmem:s20+$0x8300]  }
0x177: {  	v19 =	vld.idx.msk [tilespmem:v2+s0+$0x0], $0xffff  }
0x178: {  	v21 =	vld.idx.msk [tilespmem:v2+s4+$0x0], $0xffff  }
0x179: {  	v23 =	vld.idx.msk [tilespmem:v3+s0+$0x0], $0xffff  }
0x17a: {  	v25 =	vld.idx.msk [tilespmem:v3+s4+$0x0], $0xffff  }
0x17b: {  	v26 =	vld.idx.msk [tilespmem:v4+s0+$0x0], $0xffff  }
0x17c: {  	v27 =	vld.idx.msk [tilespmem:v4+s4+$0x0], $0xffff  }
0x17d: {  	v30 =	vld.idx.msk [tilespmem:v7+s0+$0x0], $0xffff  }
0x17e: {  	v31 =	vld.idx.msk [tilespmem:v7+s4+$0x0], $0xffff  }
0x17f: {  	v33 =	vld.idx.msk [tilespmem:v8+s0+$0x0], $0xffff  }
0x180: {  	v35 =	vld.idx.msk [tilespmem:v8+s4+$0x0], $0xffff  }
0x181: {  	v38 =	vld.idx.msk [tilespmem:v12+s0+$0x0], $0xffff  }
0x182: {  	v5 =	vadd.s32 $0x800, v2;
	v39 =	vld.idx.msk [tilespmem:v12+s4+$0x0], $0xffff  }
0x183: {  	v40 =	vld.idx.msk [tilespmem:v15+s0+$0x0], $0xffff  }
0x184: {  	v6 =	vadd.s32 $0x1000, v2;
	v42 =	vld.idx.msk [tilespmem:v15+s4+$0x0], $0xffff  }
0x185: {  	v44 =	vld.idx.msk [tilespmem:v17+s0+$0x0], $0xffff  }
0x186: {  	v9 =	vadd.s32 $0x800, v3;
	v45 =	vld.idx.msk [tilespmem:v17+s4+$0x0], $0xffff  }
0x187: {  	v24 =	vld.idx.msk [tilespmem:v5+s0+$0x0], $0xffff  }
0x188: {  	v10 =	vadd.s32 $0x1000, v3;
	v28 =	vld.idx.msk [tilespmem:v5+s4+$0x0], $0xffff  }
0x189: {  	v5 =	vld.idx.msk [tilespmem:v6+s0+$0x0], $0xffff  }
0x18a: {  	v13 =	vadd.s32 $0x800, v4;
	v6 =	vld.idx.msk [tilespmem:v6+s4+$0x0], $0xffff  }
0x18b: {  	v34 =	vld.idx.msk [tilespmem:v9+s0+$0x0], $0xffff  }
0x18c: {  	v14 =	vadd.s32 $0x1000, v4;
	v37 =	vld.idx.msk [tilespmem:v9+s4+$0x0], $0xffff  }
0x18d: {  	v9 =	vld.idx.msk [tilespmem:v10+s0+$0x0], $0xffff  }
0x18e: {  	v18 =	vadd.s32 $0x800, v7;
	v10 =	vld.idx.msk [tilespmem:v10+s4+$0x0], $0xffff  }
0x18f: {  	v41 =	vld.idx.msk [tilespmem:v13+s0+$0x0], $0xffff  }
0x190: {  	v20 =	vadd.s32 $0x1000, v7;
	v43 =	vld.idx.msk [tilespmem:v13+s4+$0x0], $0xffff  }
0x191: {  	v13 =	vld.idx.msk [tilespmem:v14+s0+$0x0], $0xffff  }
0x192: {  	v32 =	vadd.s32 $0x800, v8;
	v14 =	vld.idx.msk [tilespmem:v14+s4+$0x0], $0xffff  }
0x193: {  	v47 =	vld.idx.msk [tilespmem:v18+s0+$0x0], $0xffff  }
0x194: {  	v36 =	vadd.s32 $0x1000, v8;
	v48 =	vld.idx.msk [tilespmem:v18+s4+$0x0], $0xffff  }
0x195: {  	v18 =	vld.idx.msk [tilespmem:v20+s0+$0x0], $0xffff  }
0x196: {  	v46 =	vadd.s32 $0x800, v12;
	v20 =	vld.idx.msk [tilespmem:v20+s4+$0x0], $0xffff  }
0x197: {  	v49 =	vld.idx.msk [tilespmem:v32+s0+$0x0], $0xffff  }
0x198: {  	v53 =	vadd.s32 $0x1000, v12;
	v50 =	vld.idx.msk [tilespmem:v32+s4+$0x0], $0xffff  }
.Ltmp4:
0x199: {  	v32 =	vld.idx.msk [tilespmem:v36+s0+$0x0], $0xffff;
	(pc) =	sbr.rel @p0 .LBB2_10-.Ltmp4, $4  }
0x19a: {  	v55 =	vadd.s32 $0x800, v15;
	v36 =	vld.idx.msk [tilespmem:v36+s4+$0x0], $0xffff  }
0x19b: {  	v51 =	vld.idx.msk [tilespmem:v46+s0+$0x0], $0xffff  }
0x19c: {  	v54 =	vadd.s32 $0x1000, v15;
	v52 =	vld.idx.msk [tilespmem:v46+s4+$0x0], $0xffff  }
0x19d: {  	s19 =	sadd.s32 $0x1000, s19;
	v46 =	vld.idx.msk [tilespmem:v53+s0+$0x0], $0xffff  }
0x19e: {  	v44 =	vmul.f32 v45, v44;
	_ =	sdelay $0x1  }
0x19f: {  	v61 =	vadd.s32 $0x800, v17;
	v40 =	vmul.f32 v42, v40;
	v29 =	vadd.f32 v44, v29;
	_ =	sdelay $0x1  }
0x1a0: {  	v38 =	vmul.f32 v39, v38;
	v29 =	vadd.f32 v40, v29;
	_ =	sdelay $0x1  }
0x1a1: {  	v33 =	vmul.f32 v35, v33;
	v29 =	vadd.f32 v38, v29  }
0x1a2: {  	v62 =	vld.idx.msk [tilespmem:v61+s0+$0x0], $0xffff  }
0x1a3: {  	v30 =	vmul.f32 v31, v30;
	v63 =	vld.idx.msk [tilespmem:v61+s4+$0x0], $0xffff;
	v29 =	vadd.f32 v33, v29  }
0x1a4: {  	v39 =	vld.idx.msk [tilespmem:v55+s0+$0x0], $0xffff  }
0x1a5: {  	v26 =	vmul.f32 v27, v26;
	v40 =	vld.idx.msk [tilespmem:v55+s4+$0x0], $0xffff;
	v42 =	vadd.f32 v30, v29;
	_ =	sdelay $0x1  }
0x1a6: {  	v23 =	vmul.f32 v25, v23;
	v44 =	vadd.f32 v26, v42  }
0x1a7: {  	v45 =	vmul.f32 v63, v62  }
0x1a8: {  	v19 =	vmul.f32 v21, v19;
	v55 =	vadd.f32 v23, v44  }
0x1a9: {  	v56 =	vadd.s32 $0x1000, v17;
	v57 =	vmul.f32 v40, v39;
	v22 =	vadd.f32 v45, v22  }
0x1aa: {  	v19 =	vadd.f32 v19, v55  }
0x1ab: {  	v58 =	vmul.f32 v52, v51;
	v22 =	vadd.f32 v57, v22  }
0x1ac: {  	v19 =	vsub.f32 $0.0e+00, v19  }
0x1ad: {  	v59 =	vmul.f32 v50, v49;
	v21 =	vadd.f32 v58, v22  }
0x1ae: {  	v60 =	vld.idx.msk [tilespmem:v56+s0+$0x0], $0xffff;
	v19 =	vmul.f32 $1.442695020e+00, v19  }
0x1af: {  	v61 =	vmul.f32 v48, v47;
	v23 =	vld.idx.msk [tilespmem:v56+s4+$0x0], $0xffff;
	v21 =	vadd.f32 v59, v21  }
0x1b0: {  	v62 =	vld.idx.msk [tilespmem:v54+s0+$0x0], $0xffff;
	(erf) = vpow2.f32 v19  }
0x1b1: {  	v33 =	vmul.f32 v43, v41;
	v63 =	vld.idx.msk [tilespmem:v54+s4+$0x0], $0xffff;
	v21 =	vadd.f32 v61, v21;
	_ =	sdelay $0x1  }
0x1b2: {  	v35 =	vld.idx.msk [tilespmem:v53+s4+$0x0], $0xffff;
	v37 =	vmul.f32 v37, v34;
	v21 =	vadd.f32 v33, v21  }
0x1b3: {  	v22 =	vmul.f32 v23, v60  }
0x1b4: {  	v38 =	vmul.f32 v28, v24;
	v39 =	vadd.s32 $0x1800, v17;
	v21 =	vadd.f32 v37, v21  }
0x1b5: {  	v16 =	vadd.f32 v22, v16;
	v19 =	vmul.f32 v63, v62  }
0x1b6: {  	v15 =	vadd.s32 $0x1800, v15;
	v21 =	vadd.f32 v38, v21  }
0x1b7: {  	v40 =	vmul.f32 v35, v46;
	v16 =	vadd.f32 v19, v16  }
0x1b8: {  	v12 =	vadd.s32 $0x1800, v12;
	v21 =	vsub.f32 $0.0e+00, v21;
	v41 =	vpop (erf)  }
0x1b9: {  	v42 =	vmul.f32 v36, v32;
	v43 =	vld.idx.msk [tilespmem:v39+s0+$0x0], $0xffff;
	v16 =	vadd.f32 v40, v16;
	v19 =	vadd.f32 $1.000000000e+00, v41  }
0x1ba: {  	v8 =	vadd.s32 $0x1800, v8;
	v17 =	vld.idx.msk [tilespmem:v39+s4+$0x0], $0xffff;
	v21 =	vmul.f32 $1.442695020e+00, v21  }
0x1bb: {  	v18 =	vmul.f32 v20, v18;
	v44 =	vld.idx.msk [tilespmem:v15+s0+$0x0], $0xffff;
	v16 =	vadd.f32 v42, v16;
	(erf) = vrcp.f32 v19  }
0x1bc: {  	v7 =	vadd.s32 $0x1800, v7;
	v15 =	vld.idx.msk [tilespmem:v15+s4+$0x0], $0xffff;
	(erf) = vpow2.f32 v21  }
0x1bd: {  	v13 =	vmul.f32 v14, v13;
	v46 =	vld.idx.msk [tilespmem:v12+s0+$0x0], $0xffff;
	v45 =	vadd.f32 v18, v16  }
0x1be: {  	v4 =	vadd.s32 $0x1800, v4;
	v12 =	vld.idx.msk [tilespmem:v12+s4+$0x0], $0xffff  }
0x1bf: {  	v9 =	vmul.f32 v10, v9;
	v48 =	vld.idx.msk [tilespmem:v8+s0+$0x0], $0xffff;
	v49 =	vmul.f32 v17, v43;
	v47 =	vadd.f32 v13, v45  }
0x1c0: {  	v3 =	vadd.s32 $0x1800, v3;
	v5 =	vmul.f32 v6, v5;
	v8 =	vld.idx.msk [tilespmem:v8+s4+$0x0], $0xffff  }
0x1c1: {  	v51 =	vld.idx.msk [tilespmem:v7+s0+$0x0], $0xffff;
	v53 =	vmul.f32 v15, v44;
	v52 =	vadd.f32 v49, v11;
	v50 =	vadd.f32 v9, v47  }
0x1c2: {  	v2 =	vadd.s32 $0x1800, v2;
	v7 =	vld.idx.msk [tilespmem:v7+s4+$0x0], $0xffff  }
0x1c3: {  	v54 =	vld.idx.msk [tilespmem:v4+s0+$0x0], $0xffff;
	v55 =	vmul.f32 v12, v46;
	v10 =	vadd.f32 v53, v52;
	v5 =	vadd.f32 v5, v50  }
0x1c4: {  	v4 =	vld.idx.msk [tilespmem:v4+s4+$0x0], $0xffff;
	v56 =	vpop (erf)  }
0x1c5: {  	v8 =	vmul.f32 v8, v48;
	v58 =	vld.idx.msk [tilespmem:v3+s0+$0x0], $0xffff;
	v10 =	vadd.f32 v55, v10;
	v5 =	vsub.f32 $0.0e+00, v5;
	v57 =	vpop (erf)  }
0x1c6: {  	v3 =	vld.idx.msk [tilespmem:v3+s4+$0x0], $0xffff;
	v59 =	vadd.f32 $1.000000000e+00, v57  }
0x1c7: {  	v7 =	vmul.f32 v7, v51;
	v8 =	vadd.f32 v8, v10;
	v5 =	vmul.f32 $1.442695020e+00, v5  }
0x1c8: {  	v60 =	vld.idx.msk [tilespmem:v2+s0+$0x0], $0xffff;
	(erf) = vrcp.f32 v59  }
0x1c9: {  	v4 =	vmul.f32 v4, v54;
	v2 =	vld.idx.msk [tilespmem:v2+s4+$0x0], $0xffff;
	v61 =	vadd.f32 v7, v8;
	(erf) = vpow2.f32 v5;
	_ =	sdelay $0x1  }
0x1ca: {  	v3 =	vmul.f32 v3, v58;
	v4 =	vadd.f32 v4, v61;
	_ =	sdelay $0x1  }
0x1cb: {  	v3 =	vadd.f32 v3, v4  }
0x1cc: {  	v2 =	vmul.f32 v2, v60;
	_ =	sdelay $0x1  }
0x1cd: {  	v2 =	vadd.f32 v2, v3  }
0x1ce: {  	v3 =	vpop (erf)  }
0x1cf: {  	v2 =	vsub.f32 $0.0e+00, v2;
	v62 =	vpop (erf)  }
0x1d0: {  	v4 =	vadd.f32 $1.000000000e+00, v62  }
0x1d1: {  	v2 =	vmul.f32 $1.442695020e+00, v2  }
0x1d2: {  	(erf) = vrcp.f32 v4  }
0x1d3: {  	(erf) = vpow2.f32 v2;
	_ =	sdelay $0x7  }
0x1d4: {  	v2 =	vpop (erf)  }
0x1d5: {  	v63 =	vpop (erf)  }
0x1d6: {  	v4 =	vadd.f32 $1.000000000e+00, v63;
	_ =	sdelay $0x1  }
0x1d7: {  	(erf) = vrcp.f32 v4;
	_ =	sdelay $0x4  }
0x1d8: {  	s18 =	sadd.s32 $0x1, s18  }
0x1d9: {  	p0 =	sne.s32 s18, $0x4E  }
.Ltmp5:
0x1da: {  	[tilespmem:$0x8280] =	vst v56;
	(pc) =	sbr.rel @p0 .LBB2_4-.Ltmp5, $4  }
0x1db: {  	s12 =	sadd.s32 s12, s9;
	[tilespmem:$0x8290] =	vst v3  }
0x1dc: {  	s12 =	sshrl.u32 s12, $0x3;
	[tilespmem:$0x82A0] =	vst v2;
	v2 =	vpop (erf)  }
0x1dd: {  	s12 =	sadd.s32 s3, s12;
	[tilespmem:$0x82B0] =	vst v2  }
0x1de: {  	[hbm4b:s12+s6] =	stream.linear.scatter [tilespmem:s11], [sflag:$0x6], $0x40, $0x38;
	[tilespmem:$0x1FB80] =	vst v63  }
0x1df: {  	s12 =	simm.s32 $0x0;
	s18 =	rddreg [dreg:$0xc]  }
0x1e0: {  	[tilespmem:s12], [sflag:$0x3] =	stream.linear.gather [hbm4b:s18+s12], $0x10, $0x38;
	[tilespmem:$0x1FB80] =	vst v63  }
0x1e1: {  	_ =	swait.ge [sflag:s26], $0x10  }
0x1e2: {  	[sflag:s26] =	ssyncset.done $0x0  }
0x1e3: {  	s20 =	rddreg [dreg:$0xd];
	[sflag:s26] =	ssyncadd.s32 $0xFFFFFFF0  }
0x1e4: {  	[tilespmem:s23], [sflag:$0x3] =	stream.linear.gather [hbm4b:s20+s12], $0x10, $0x38;
	[tilespmem:$0x1FB80] =	vst v63  }
0x1e5: {  	_ =	swait.ge [sflag:s26], $0x10  }
0x1e6: {  	[sflag:s26] =	ssyncset.done $0x0  }
0x1e7: {  	s21 =	simm.s32 $0x10;
	[sflag:s26] =	ssyncadd.s32 $0xFFFFFFF0  }
0x1e8: {  	[tilespmem:s29], [sflag:$0x1] =	stream.indirect.gather [spmem:s5], $0x80, s12, s21, $0xb8;
	[tilespmem:$0x1FB80] =	vst v63  }
0x1e9: {  	_ =	swait.ge [sflag:s8], $0x800  }
0x1ea: {  	[sflag:s8] =	ssyncset.done $0x0  }
0x1eb: {  	[sflag:s8] =	ssyncadd.s32 $0xFFFFF800  }
0x1ec: {  	[tilespmem:s30], [sflag:$0x1] =	stream.indirect.gather [spmem:s5], $0x80, s23, s21, $0xb8;
	[tilespmem:$0x1FB80] =	vst v63  }
0x1ed: {  	_ =	swait.ge [sflag:s8], $0x800  }
0x1ee: {  	[sflag:s8] =	ssyncset.done $0x0  }
0x1ef: {  	[sflag:s8] =	ssyncadd.s32 $0xFFFFF800  }
0x1f0: {  	_ =	swait.ge [sflag:s13], $0x40  }
0x1f1: {  	[sflag:s13] =	ssyncset.done $0x0  }
0x1f2: {  	s22 =	simm.s32 $0x0;
	[sflag:s13] =	ssyncadd.s32 $0xFFFFFFC0  }
0x1f3: {  	v2 =	vld [tilespmem:s22+$0x8300]  }
0x1f4: {  	v7 =	vld [tilespmem:s22+$0x8680]  }
0x1f5: {  	v3 =	vld [tilespmem:s22+$0x8380]  }
0x1f6: {  	v4 =	vld [tilespmem:s22+$0x8600]  }
0x1f7: {  	v5 =	vld [tilespmem:s22+$0x8400]  }
0x1f8: {  	v6 =	vld [tilespmem:s22+$0x8580]  }
0x1f9: {  	v8 =	vld [tilespmem:s22+$0x8480]  }
0x1fa: {  	v9 =	vld [tilespmem:s22+$0x8500]  }
0x1fb: {  	v10 =	vld.idx.msk [tilespmem:v2+s29+$0x0], $0xffff  }
0x1fc: {  	v2 =	vld.idx.msk [tilespmem:v2+s30+$0x0], $0xffff  }
0x1fd: {  	v11 =	vld.idx.msk [tilespmem:v3+s29+$0x0], $0xffff  }
0x1fe: {  	v3 =	vld.idx.msk [tilespmem:v3+s30+$0x0], $0xffff  }
0x1ff: {  	v12 =	vld.idx.msk [tilespmem:v5+s29+$0x0], $0xffff  }
0x200: {  	v13 =	vld.idx.msk [tilespmem:v5+s30+$0x0], $0xffff  }
0x201: {  	v14 =	vld.idx.msk [tilespmem:v8+s29+$0x0], $0xffff  }
0x202: {  	v8 =	vld.idx.msk [tilespmem:v8+s30+$0x0], $0xffff;
	v2 =	vmul.f32 v2, v10  }
0x203: {  	v5 =	vimm.f32 $0.0e+00;
	v15 =	vld.idx.msk [tilespmem:v9+s30+$0x0], $0xffff  }
0x204: {  	v10 =	vld.idx.msk [tilespmem:v9+s29+$0x0], $0xffff;
	v3 =	vmul.f32 v3, v11;
	v9 =	vadd.f32 v2, v5  }
0x205: {  	v2 =	vld.idx.msk [tilespmem:v6+s29+$0x0], $0xffff  }
0x206: {  	v11 =	vmul.f32 v13, v12;
	v5 =	vld.idx.msk [tilespmem:v6+s30+$0x0], $0xffff;
	v9 =	vadd.f32 v3, v9  }
0x207: {  	v6 =	vld.idx.msk [tilespmem:v4+s30+$0x0], $0xffff  }
0x208: {  	v8 =	vmul.f32 v8, v14;
	v3 =	vld.idx.msk [tilespmem:v4+s29+$0x0], $0xffff;
	v9 =	vadd.f32 v11, v9  }
0x209: {  	v4 =	vld.idx.msk [tilespmem:v7+s29+$0x0], $0xffff  }
0x20a: {  	s18 =	simm.s32 $0x400;
	v7 =	vld.idx.msk [tilespmem:v7+s30+$0x0], $0xffff;
	v10 =	vmul.f32 v15, v10;
	v9 =	vadd.f32 v8, v9  }
0x20b: {  	s12 =	simm.s32 $0x2000;
	v8 =	vld [tilespmem:s18+$0x8300]  }
.LBB2_13:
0x20c: {  	p0 =	sne.s32 s12, $0xF000;
	v11 =	vld [tilespmem:s18+$0x8680];
	v9 =	vadd.f32 v10, v9;
	v2 =	vmul.f32 v5, v2  }
0x20d: {  	v5 =	vld [tilespmem:s18+$0x8380]  }
0x20e: {  	v3 =	vmul.f32 v6, v3;
	v10 =	vld [tilespmem:s18+$0x8600];
	v2 =	vadd.f32 v2, v9  }
0x20f: {  	v6 =	vld [tilespmem:s18+$0x8400]  }
0x210: {  	v9 =	vld [tilespmem:s18+$0x8580];
	v2 =	vadd.f32 v3, v2;
	v3 =	vmul.f32 v7, v4  }
0x211: {  	v4 =	vld [tilespmem:s18+$0x8480]  }
0x212: {  	v7 =	vld [tilespmem:s18+$0x8500];
	v2 =	vadd.f32 v3, v2  }
0x213: {  	v3 =	vld.idx.msk [tilespmem:v8+s29+$0x0], $0xffff  }
0x214: {  	v8 =	vld.idx.msk [tilespmem:v8+s30+$0x0], $0xffff  }
0x215: {  	v12 =	vld.idx.msk [tilespmem:v5+s29+$0x0], $0xffff  }
0x216: {  	v5 =	vld.idx.msk [tilespmem:v5+s30+$0x0], $0xffff  }
0x217: {  	v13 =	vld.idx.msk [tilespmem:v6+s29+$0x0], $0xffff  }
0x218: {  	v6 =	vld.idx.msk [tilespmem:v6+s30+$0x0], $0xffff  }
0x219: {  	v14 =	vld.idx.msk [tilespmem:v4+s29+$0x0], $0xffff  }
0x21a: {  	v3 =	vmul.f32 v8, v3;
	v4 =	vld.idx.msk [tilespmem:v4+s30+$0x0], $0xffff  }
0x21b: {  	v8 =	vld.idx.msk [tilespmem:v7+s29+$0x0], $0xffff  }
0x21c: {  	v3 =	vadd.f32 v3, v2;
	v5 =	vmul.f32 v5, v12;
	v7 =	vld.idx.msk [tilespmem:v7+s30+$0x0], $0xffff  }
0x21d: {  	v2 =	vld.idx.msk [tilespmem:v9+s29+$0x0], $0xffff  }
0x21e: {  	v12 =	vadd.f32 v5, v3;
	v6 =	vmul.f32 v6, v13;
	v5 =	vld.idx.msk [tilespmem:v9+s30+$0x0], $0xffff  }
.Ltmp6:
0x21f: {  	v3 =	vld.idx.msk [tilespmem:v10+s29+$0x0], $0xffff;
	(pc) =	sbr.rel @p0 .LBB2_13-.Ltmp6, $4  }
0x220: {  	v9 =	vadd.f32 v6, v12;
	v12 =	vmul.f32 v4, v14;
	v6 =	vld.idx.msk [tilespmem:v10+s30+$0x0], $0xffff  }
0x221: {  	v4 =	vld.idx.msk [tilespmem:v11+s29+$0x0], $0xffff  }
0x222: {  	s18 =	sshra.s32 s12, $0x2;
	v9 =	vadd.f32 v12, v9;
	v10 =	vmul.f32 v7, v8;
	v7 =	vld.idx.msk [tilespmem:v11+s30+$0x0], $0xffff  }
0x223: {  	s12 =	sadd.s32 $0x1000, s12;
	v8 =	vld [tilespmem:s18+$0x8300]  }
0x224: {  	_ = 	snop  }
0x225: {  	v11 =	vld [tilespmem:s18+$0x8680]  }
0x226: {  	v12 =	vld [tilespmem:s18+$0x8380]  }
0x227: {  	v13 =	vld [tilespmem:s18+$0x8600]  }
0x228: {  	v14 =	vld [tilespmem:s18+$0x8400]  }
0x229: {  	v15 =	vld [tilespmem:s18+$0x8580]  }
0x22a: {  	v16 =	vld [tilespmem:s18+$0x8480]  }
0x22b: {  	v17 =	vld [tilespmem:s18+$0x8500]  }
0x22c: {  	v9 =	vadd.f32 v10, v9;
	v2 =	vmul.f32 v5, v2;
	v48 =	vld.idx.msk [tilespmem:v8+s29+$0x0], $0xffff  }
0x22d: {  	v49 =	vld.idx.msk [tilespmem:v8+s30+$0x0], $0xffff  }
0x22e: {  	v3 =	vmul.f32 v6, v3;
	v2 =	vadd.f32 v2, v9;
	v50 =	vld.idx.msk [tilespmem:v12+s29+$0x0], $0xffff  }
0x22f: {  	v51 =	vld.idx.msk [tilespmem:v12+s30+$0x0], $0xffff  }
0x230: {  	v2 =	vadd.f32 v3, v2;
	v3 =	vmul.f32 v7, v4;
	v52 =	vld.idx.msk [tilespmem:v14+s29+$0x0], $0xffff  }
0x231: {  	v53 =	vld.idx.msk [tilespmem:v14+s30+$0x0], $0xffff  }
0x232: {  	v2 =	vadd.f32 v3, v2;
	v3 =	vld.idx.msk [tilespmem:v16+s29+$0x0], $0xffff;
	v5 =	vmul.f32 v49, v48  }
0x233: {  	v54 =	vld.idx.msk [tilespmem:v16+s30+$0x0], $0xffff  }
0x234: {  	v55 =	vld.idx.msk [tilespmem:v17+s29+$0x0], $0xffff;
	v2 =	vadd.f32 v5, v2;
	v56 =	vmul.f32 v51, v50  }
0x235: {  	v57 =	vld.idx.msk [tilespmem:v17+s30+$0x0], $0xffff  }
0x236: {  	v58 =	vld.idx.msk [tilespmem:v15+s29+$0x0], $0xffff;
	v4 =	vmul.f32 v53, v52;
	v2 =	vadd.f32 v56, v2  }
0x237: {  	v59 =	vld.idx.msk [tilespmem:v15+s30+$0x0], $0xffff  }
0x238: {  	v60 =	vld.idx.msk [tilespmem:v13+s29+$0x0], $0xffff;
	v3 =	vmul.f32 v54, v3;
	v2 =	vadd.f32 v4, v2  }
0x239: {  	v61 =	vld.idx.msk [tilespmem:v13+s30+$0x0], $0xffff  }
0x23a: {  	v62 =	vld.idx.msk [tilespmem:v11+s29+$0x0], $0xffff;
	v2 =	vadd.f32 v3, v2;
	v3 =	vmul.f32 v57, v55  }
0x23b: {  	v63 =	vld.idx.msk [tilespmem:v11+s30+$0x0], $0xffff  }
0x23c: {  	v2 =	vadd.f32 v3, v2;
	v3 =	vmul.f32 v59, v58;
	_ =	sdelay $0x1  }
0x23d: {  	v2 =	vadd.f32 v3, v2;
	v3 =	vmul.f32 v61, v60;
	_ =	sdelay $0x1  }
0x23e: {  	v2 =	vadd.f32 v3, v2;
	v3 =	vmul.f32 v63, v62;
	_ =	sdelay $0x1  }
0x23f: {  	v2 =	vadd.f32 v3, v2;
	_ =	sdelay $0x1  }
0x240: {  	v2 =	vsub.f32 $0.0e+00, v2;
	_ =	sdelay $0x1  }
0x241: {  	v2 =	vmul.f32 $1.442695020e+00, v2;
	_ =	sdelay $0x1  }
0x242: {  	(erf) = vpow2.f32 v2;
	_ =	sdelay $0x8  }
0x243: {  	v2 =	vpop (erf)  }
0x244: {  	v2 =	vadd.f32 $1.000000000e+00, v2;
	_ =	sdelay $0x1  }
0x245: {  	(erf) = vrcp.f32 v2;
	_ =	sdelay $0x8  }
0x246: {  	v2 =	vpop (erf)  }
0x247: {  	s12 =	rddreg [dreg:$0xe];
	[tilespmem:$0x8200] =	vst v2  }
0x248: {  	[hbm4b:s12+s6] =	stream.linear.scatter [tilespmem:s10], [sflag:$0x5], $0x10, $0x38;
	[tilespmem:$0x1FB80] =	vst v63  }
0x249: {  	_ =	swait.ge [sflag:s14], $0x40  }
0x24a: {  	[sflag:s14] =	ssyncset.done $0x0  }
0x24b: {  	[sflag:s14] =	ssyncadd.s32 $0xFFFFFFC0  }
0x24c: {  	_ =	swait.ge [sflag:s13], $0x10  }
0x24d: {  	s17 =	sadd.s32 $0x1, s17;
	s22 =	rddreg [dreg:$0xf]  }
0x24e: {  	p0 =	sne.s32 s17, s22  }
.Ltmp7:
0x24f: {  	_ = 	snop;
	(pc) =	sbr.rel @p0 .LBB2_1-.Ltmp7, $3  }
0x250: {  	_ =	sdelay $0x1  }
0x251: {  	[sflag:s13] =	ssyncset.done $0x0  }
0x252: {  	[sflag:s13] =	ssyncadd.s32 $0xFFFFFFF0  }
0x253: {  	_ =	sfence.sel $0x180000  }
0x254: {  	[bflag:$0x0] =	sbarrier.arrive $0xFFFF  }
0x255: {  	_ =	strace $0x90000047  }
0x256: {  	s0 =	stileid.u32;
	[bflag:$0x2] =	sbarrier.arrive $0xFFFF  }
0x257: {  	p0 =	sne.s32 s0, $0x0;
	s0 =	rddreg [dreg:$0x5]  }
0x258: {  	s0 =	sadd.s32 @!p0 $0x100000, s0  }
0x259: {  	[sflag:s0] =	ssyncadd.tile.s32 @!p0 $0x1;
	_ =	shalt  }
.Lfunc_end2:
_tile_overlayer_lowered:
.L_overlay_start_2:
0x25a: {  	(tag) =	ssettag $0x2  }
0x25b: {  	s0 =	rddreg [dreg:$0x0];
	s2 =	stileid.u32  }
0x25c: {  	s1 =	rddreg [dreg:$0x1];
	p0 =	sne.s32 s2, $0x0  }
0x25d: {  	s3 =	rddreg [dreg:$0x2];
	[bflag:$0x3] =	sbarrier.arrive $0xFFFF;
	s2 =	simm.s32 @!p0 $0x1C07  }
0x25e: {  	[timem:s3], [sflag:s2] =	dma.local @!p0 [hbm:s0], s1  }
0x25f: {  	s0 =	simm.s32 @!p0 $0x7  }
0x260: {  	_ =	swait.ge @!p0 [sflag:s0], s1  }
0x261: {  	s1 =	ssub.s32 @!p0 $0x0, s1;
	[sflag:s0] =	ssyncset.done @!p0 $0x0  }
0x262: {  	[sflag:s0] =	ssyncadd.s32 @!p0 s1  }
0x263: {  	[bflag:$0x3] =	sbarrier.arrive $0xFFFF  }
0x264: {  	_ =	shalt  }

</sc_bundles>
